<compile_context>
chip_gen: v7x
topology: tpu7x:2x2x1
jax: 0.10.2.dev20260603
libtpu: 0.0.44.dev20260713+nightly
codegen_flags: <defaults>
</compile_context>

<pallas_src>
import jax
import jax.numpy as jnp
from jax import lax
from jax.experimental import pallas as pl
from jax.experimental.pallas import tpu as pltpu
from jax.experimental.pallas import tpu_sc as plsc

_B, _N, _C, _H, _W = 2, 4, 96, 224, 224
_L = 16
_NUM_WORKERS = 32
_ROWS = _B * _H
_ROWS_PER_WORKER = _ROWS // _NUM_WORKERS
_GROUPS = _ROWS_PER_WORKER * (_W // _L)


def _sc_rank_body(ts_hbm, rank_hbm, ts_v, rank_v):
    wid = lax.axis_index("s") * 2 + lax.axis_index("c")
    zero = jnp.full((_L,), 0, jnp.int32)
    one = jnp.full((_L,), 1, jnp.int32)
    byte_scale = [jnp.full((_L,), 1 << (8 * m), jnp.int32) for m in range(_N)]

    row0 = wid * _ROWS_PER_WORKER
    b = row0 // _H
    h0 = row0 % _H

    pltpu.sync_copy(ts_hbm.at[b, :, pl.ds(h0, _ROWS_PER_WORKER), :], ts_v)

    def group_body(fg, _):
        hh = fg // (_W // _L)
        sl = pl.ds((fg % (_W // _L)) * _L, _L)
        t = [ts_v[m, hh, sl] for m in range(_N)]
        word = zero
        for m in range(_N):
            r = zero
            for j in range(_N):
                if j == m:
                    continue
                r = r + jnp.where(t[j] > t[m], one, zero)
                if j < m:
                    r = r + jnp.where(t[j] == t[m], one, zero)
            word = word + r * byte_scale[m]
        rank_v[hh, sl] = word
        return 0

    lax.fori_loop(0, _GROUPS, group_body, 0)
    pltpu.sync_copy(rank_v,
                    rank_hbm.at[b, pl.ds(h0, _ROWS_PER_WORKER), :])


def _sc_ranks(timestamps):
    mesh = plsc.VectorSubcoreMesh(core_axis_name="c", subcore_axis_name="s")
    run = pl.kernel(
        _sc_rank_body,
        out_type=jax.ShapeDtypeStruct((_B, _H, _W), jnp.int32),
        mesh=mesh,
        compiler_params=pltpu.CompilerParams(use_tc_tiling_on_sc=False),
        scratch_types=[
            pltpu.VMEM((_N, _ROWS_PER_WORKER, _W), jnp.float32),
            pltpu.VMEM((_ROWS_PER_WORKER, _W), jnp.int32),
        ],
    )
    return run(timestamps)


_TC_CB = 8


def _tc_body(rank_ref, feat_ref, out_ref):
    word = rank_ref[...]
    ranks = [(word >> (8 * m)) & 0xFF for m in range(_N - 1)]
    masks = [[ranks[m] == n for m in range(_N - 1)] for n in range(_N)]
    for c in range(_TC_CB):
        f = [feat_ref[m, c] for m in range(_N)]
        for n in range(_N):
            v = f[_N - 1]
            for m in range(_N - 2, -1, -1):
                v = jnp.where(masks[n][m], f[m], v)
            out_ref[n, c] = v


def _tc_permute(features, ranks):
    b, n, c, h, w = features.shape
    grid = (b, c // _TC_CB)
    return pl.pallas_call(
        _tc_body,
        grid=grid,
        in_specs=[
            pl.BlockSpec((None, h, w), lambda bi, ci: (bi, 0, 0)),
            pl.BlockSpec((None, n, _TC_CB, h, w),
                         lambda bi, ci: (bi, 0, ci, 0, 0)),
        ],
        out_specs=pl.BlockSpec((None, n, _TC_CB, h, w),
                               lambda bi, ci: (bi, 0, ci, 0, 0)),
        out_shape=jax.ShapeDtypeStruct(features.shape, features.dtype),
    )(ranks, features)


def kernel(features, timestamps, dim):
    del dim
    return _tc_permute(features, _sc_ranks(timestamps))

# --- scband reference (transcript-rebuilt; emitter-appended) ---
"""Pipeline reference for scband-composer-base-32727650796284 (READ-ONLY COPY).

The authoritative reference and input builder live on the scoring server;
editing this copy changes nothing except your own understanding.
"""

import jax, jax.numpy as jnp
import numpy as np


def setup_inputs(seed: int = 0) -> dict:
    key = jax.random.key(seed)
    k1, k2 = jax.random.split(key)
    B, N, C, H, W = 2, 4, 96, 224, 224
    features = jax.random.normal(k1, (B, N, C, H, W), dtype=jnp.float32)
    timestamps = jax.random.uniform(k2, (B, N, H, W), dtype=jnp.float32)
    return {"features": features, "timestamps": timestamps, "dim": 1}


def reference(features, timestamps, dim):
    # Faithful translation of ComposerBase.sort_intersections:
    #   idx = argsort(timestamps, dim=dim, descending=True)
    #   idx = idx.unsqueeze(dim+1).expand_as(features)
    #   sorted_features = gather(features, dim=dim, index=idx)
    axis = 1
    idx = jnp.argsort(-timestamps, axis=axis)  # descending sort order
    idx = idx + jnp.asarray(dim - dim, dtype=idx.dtype)
    idx = jnp.broadcast_to(jnp.expand_dims(idx, axis + 1), features.shape)
    sorted_features = jnp.take_along_axis(features, idx, axis=axis)
    return sorted_features

if __name__ == "__main__":
    import jax
    _d = setup_inputs()
    print(jax.jit(kernel)(*tuple(_d.values())))

</pallas_src>

<mosaic_0001>
#map = affine_map<(d0, d1) -> (0, 0, 0, 0)>
#map1 = affine_map<(d0, d1) -> (0, 0, 0)>
module attributes {stable_mosaic.version = 14 : i64} {
  func.func @_sc_rank_body(%arg0: i32, %arg1: i32, %arg2: memref<2x4x224x224xf32, #tpu.memory_space<hbm>>, %arg3: memref<2x224x224xi32, #tpu.memory_space<hbm>>, %arg4: memref<4x14x224xf32, #tpu.memory_space<vmem>>, %arg5: memref<14x224xi32, #tpu.memory_space<vmem>>) attributes {dimension_semantics = [#tpu.dimension_semantics<core_parallel>, #tpu.dimension_semantics<subcore_parallel>], iteration_bounds = array<i64: 2, 16>, scalar_prefetch = 0 : i64, scratch_operands = 2 : i64, tpu.core_type = #tpu.core_type<sc_vector_subcore>, window_params = [{transform_indices = #map}, {transform_indices = #map1}]} {
    %mul3A = arith.constant 2 : i32
    %mul3A_0 = arith.muli %arg1, %mul3A : i32
    %add3A = arith.addi %mul3A_0, %arg0 : i32
    %broadcast_in_dim3A = arith.constant 0 : i32
    %broadcast_in_dim3A_1 = vector.broadcast %broadcast_in_dim3A : i32 to vector<16xi32>
    %broadcast_in_dim3A_2 = arith.constant 1 : i32
    %broadcast_in_dim3A_3 = vector.broadcast %broadcast_in_dim3A_2 : i32 to vector<16xi32>
    %broadcast_in_dim3A_4 = arith.constant 1 : i32
    %broadcast_in_dim3A_5 = vector.broadcast %broadcast_in_dim3A_4 : i32 to vector<16xi32>
    %broadcast_in_dim3A_6 = arith.constant 256 : i32
    %broadcast_in_dim3A_7 = vector.broadcast %broadcast_in_dim3A_6 : i32 to vector<16xi32>
    %broadcast_in_dim3A_8 = arith.constant 65536 : i32
    %broadcast_in_dim3A_9 = vector.broadcast %broadcast_in_dim3A_8 : i32 to vector<16xi32>
    %broadcast_in_dim3A_10 = arith.constant 16777216 : i32
    %broadcast_in_dim3A_11 = vector.broadcast %broadcast_in_dim3A_10 : i32 to vector<16xi32>
    %mul3A_12 = arith.constant 14 : i32
    %mul3A_13 = arith.muli %add3A, %mul3A_12 : i32
    %jit3A = arith.constant 224 : i32
    %div3A = arith.divsi %mul3A_13, %jit3A : i32
    %sign3A = arith.constant 0 : i32
    %sign3A_14 = arith.cmpi sgt, %mul3A_13, %sign3A : i32
    %sign3A_15 = arith.extui %sign3A_14 : i1 to i32
    %sign3A_16 = arith.constant 0 : i32
    %sign3A_17 = arith.cmpi slt, %mul3A_13, %sign3A_16 : i32
    %sign3A_18 = arith.extui %sign3A_17 : i1 to i32
    %sign3A_19 = arith.subi %sign3A_15, %sign3A_18 : i32
    %sign3A_20 = arith.constant 0 : i32
    %sign3A_21 = arith.cmpi sgt, %jit3A, %sign3A_20 : i32
    %sign3A_22 = arith.extui %sign3A_21 : i1 to i32
    %sign3A_23 = arith.constant 0 : i32
    %sign3A_24 = arith.cmpi slt, %jit3A, %sign3A_23 : i32
    %sign3A_25 = arith.extui %sign3A_24 : i1 to i32
    %sign3A_26 = arith.subi %sign3A_22, %sign3A_25 : i32
    %ne3A = arith.cmpi ne, %sign3A_19, %sign3A_26 : i32
    %rem3A = arith.remsi %mul3A_13, %jit3A : i32
    %ne3A_27 = arith.constant 0 : i32
    %ne3A_28 = arith.cmpi ne, %rem3A, %ne3A_27 : i32
    %and3A = arith.andi %ne3A, %ne3A_28 : i1
    %sub3A = arith.constant 1 : i32
    %sub3A_29 = arith.subi %div3A, %sub3A : i32
    %select_n3A = arith.select %and3A, %sub3A_29, %div3A : i32
    %jit3A_30 = arith.constant 224 : i32
    %eq3A = arith.constant 0 : i32
    %eq3A_31 = arith.cmpi eq, %jit3A_30, %eq3A : i32
    %jit3A_32 = arith.constant 1 : i32
    %select_n3A_33 = arith.select %eq3A_31, %jit3A_32, %jit3A_30 : i32
    %rem3A_34 = arith.remsi %mul3A_13, %select_n3A_33 : i32
    %ne3A_35 = arith.constant 0 : i32
    %ne3A_36 = arith.cmpi ne, %rem3A_34, %ne3A_35 : i32
    %lt3A = arith.constant 0 : i32
    %lt3A_37 = arith.cmpi slt, %rem3A_34, %lt3A : i32
    %lt3A_38 = arith.constant 0 : i32
    %lt3A_39 = arith.cmpi slt, %select_n3A_33, %lt3A_38 : i32
    %ne3A_40 = arith.xori %lt3A_37, %lt3A_39 : i1
    %and3A_41 = arith.andi %ne3A_40, %ne3A_36 : i1
    %add3A_42 = arith.addi %rem3A_34, %select_n3A_33 : i32
    %select_n3A_43 = arith.select %and3A_41, %add3A_42, %rem3A_34 : i32
    "tpu.region"() ({
      %run_scoped3A = tpu.sem_alloc : memref<!tpu.dma_semaphore, #tpu.memory_space<semaphore_mem>>
      %dma_start3A = arith.constant 0 : i32
      %dma_start3A_50 = arith.constant 0 : i32
      %dma_start3A_51 = tpu.memref_slice %arg2[%select_n3A, %dma_start3A, %select_n3A_43, %dma_start3A_50] : memref<2x4x224x224xf32, #tpu.memory_space<hbm>> -> memref<1x4x14x224xf32, #tpu.memory_space<hbm>>
      %dma_start3A_52 = tpu.memref_squeeze %dma_start3A_51 : memref<1x4x14x224xf32, #tpu.memory_space<hbm>> -> memref<4x14x224xf32, #tpu.memory_space<hbm>>
      %dma_start3A_53 = arith.constant 0 : i32
      %dma_start3A_54 = arith.constant 0 : i32
      %dma_start3A_55 = tpu.memref_slice %arg2[%select_n3A, %dma_start3A_53, %select_n3A_43, %dma_start3A_54] : memref<2x4x224x224xf32, #tpu.memory_space<hbm>> -> memref<1x4x14x224xf32, #tpu.memory_space<hbm>>
      %dma_start3A_56 = tpu.memref_squeeze %dma_start3A_55 : memref<1x4x14x224xf32, #tpu.memory_space<hbm>> -> memref<4x14x224xf32, #tpu.memory_space<hbm>>
      tpu.enqueue_dma source(%dma_start3A_56 : memref<4x14x224xf32, #tpu.memory_space<hbm>>) target(%arg4 : memref<4x14x224xf32, #tpu.memory_space<vmem>>) target_semaphore(%run_scoped3A : memref<!tpu.dma_semaphore, #tpu.memory_space<semaphore_mem>>)
      %dma_wait3A = arith.constant 0 : i32
      %dma_wait3A_57 = arith.constant 0 : i32
      %dma_wait3A_58 = tpu.memref_slice %arg2[%select_n3A, %dma_wait3A, %select_n3A_43, %dma_wait3A_57] : memref<2x4x224x224xf32, #tpu.memory_space<hbm>> -> memref<1x4x14x224xf32, #tpu.memory_space<hbm>>
      %dma_wait3A_59 = tpu.memref_squeeze %dma_wait3A_58 : memref<1x4x14x224xf32, #tpu.memory_space<hbm>> -> memref<4x14x224xf32, #tpu.memory_space<hbm>>
      %dma_wait3A_60 = arith.constant 0 : i32
      %dma_wait3A_61 = arith.constant 0 : i32
      %dma_wait3A_62 = tpu.memref_slice %arg2[%select_n3A, %dma_wait3A_60, %select_n3A_43, %dma_wait3A_61] : memref<2x4x224x224xf32, #tpu.memory_space<hbm>> -> memref<1x4x14x224xf32, #tpu.memory_space<hbm>>
      %dma_wait3A_63 = tpu.memref_squeeze %dma_wait3A_62 : memref<1x4x14x224xf32, #tpu.memory_space<hbm>> -> memref<4x14x224xf32, #tpu.memory_space<hbm>>
      tpu.wait_dma2 semaphore(%run_scoped3A : memref<!tpu.dma_semaphore, #tpu.memory_space<semaphore_mem>>) src(%dma_wait3A_63 : memref<4x14x224xf32, #tpu.memory_space<hbm>>) dst(%arg4 : memref<4x14x224xf32, #tpu.memory_space<vmem>>)
      tpu.yield
    }) : () -> ()
    %scan3A = arith.constant 0 : i32
    %scan3A_44 = arith.constant 0 : i32
    %scan3A_45 = arith.constant 196 : i32
    %scan3A_46 = arith.addi %scan3A_44, %scan3A_45 : i32
    %scan3A_47 = arith.constant 1 : i32
    %scan3A_48 = scf.for %scan3A_50 = %scan3A_44 to %scan3A_46 step %scan3A_47 iter_args(%scan3A_51 = %scan3A) -> (i32)  : i32 {
      %jit3A_52 = arith.constant 14 : i32
      %div3A_53 = arith.divsi %scan3A_50, %jit3A_52 : i32
      %sign3A_54 = arith.constant 0 : i32
      %sign3A_55 = arith.cmpi sgt, %scan3A_50, %sign3A_54 : i32
      %sign3A_56 = arith.extui %sign3A_55 : i1 to i32
      %sign3A_57 = arith.constant 0 : i32
      %sign3A_58 = arith.cmpi slt, %scan3A_50, %sign3A_57 : i32
      %sign3A_59 = arith.extui %sign3A_58 : i1 to i32
      %sign3A_60 = arith.subi %sign3A_56, %sign3A_59 : i32
      %sign3A_61 = arith.constant 0 : i32
      %sign3A_62 = arith.cmpi sgt, %jit3A_52, %sign3A_61 : i32
      %sign3A_63 = arith.extui %sign3A_62 : i1 to i32
      %sign3A_64 = arith.constant 0 : i32
      %sign3A_65 = arith.cmpi slt, %jit3A_52, %sign3A_64 : i32
      %sign3A_66 = arith.extui %sign3A_65 : i1 to i32
      %sign3A_67 = arith.subi %sign3A_63, %sign3A_66 : i32
      %ne3A_68 = arith.cmpi ne, %sign3A_60, %sign3A_67 : i32
      %rem3A_69 = arith.remsi %scan3A_50, %jit3A_52 : i32
      %ne3A_70 = arith.constant 0 : i32
      %ne3A_71 = arith.cmpi ne, %rem3A_69, %ne3A_70 : i32
      %and3A_72 = arith.andi %ne3A_68, %ne3A_71 : i1
      %sub3A_73 = arith.constant 1 : i32
      %sub3A_74 = arith.subi %div3A_53, %sub3A_73 : i32
      %select_n3A_75 = arith.select %and3A_72, %sub3A_74, %div3A_53 : i32
      %jit3A_76 = arith.constant 14 : i32
      %eq3A_77 = arith.constant 0 : i32
      %eq3A_78 = arith.cmpi eq, %jit3A_76, %eq3A_77 : i32
      %jit3A_79 = arith.constant 1 : i32
      %select_n3A_80 = arith.select %eq3A_78, %jit3A_79, %jit3A_76 : i32
      %rem3A_81 = arith.remsi %scan3A_50, %select_n3A_80 : i32
      %ne3A_82 = arith.constant 0 : i32
      %ne3A_83 = arith.cmpi ne, %rem3A_81, %ne3A_82 : i32
      %lt3A_84 = arith.constant 0 : i32
      %lt3A_85 = arith.cmpi slt, %rem3A_81, %lt3A_84 : i32
      %lt3A_86 = arith.constant 0 : i32
      %lt3A_87 = arith.cmpi slt, %select_n3A_80, %lt3A_86 : i32
      %ne3A_88 = arith.xori %lt3A_85, %lt3A_87 : i1
      %and3A_89 = arith.andi %ne3A_88, %ne3A_83 : i1
      %add3A_90 = arith.addi %rem3A_81, %select_n3A_80 : i32
      %select_n3A_91 = arith.select %and3A_89, %add3A_90, %rem3A_81 : i32
      %mul3A_92 = arith.constant 16 : i32
      %mul3A_93 = arith.muli %select_n3A_91, %mul3A_92 : i32
      %get3A = arith.constant 0 : i32
      %get3A_94 = arith.index_cast %get3A : i32 to index
      %get3A_95 = arith.index_cast %select_n3A_75 : i32 to index
      %get3A_96 = arith.index_cast %mul3A_93 : i32 to index
      %get3A_97 = tpu.vector_load %arg4[%get3A_94, %get3A_95, %get3A_96] {strides = array<i32>} : memref<4x14x224xf32, #tpu.memory_space<vmem>>, vector<1x1x16xf32>,
      %get3A_98 = vector.shape_cast %get3A_97 : vector<1x1x16xf32> to vector<16xf32>
      %get3A_99 = arith.constant 1 : i32
      %get3A_100 = arith.index_cast %get3A_99 : i32 to index
      %get3A_101 = arith.index_cast %select_n3A_75 : i32 to index
      %get3A_102 = arith.index_cast %mul3A_93 : i32 to index
      %get3A_103 = tpu.vector_load %arg4[%get3A_100, %get3A_101, %get3A_102] {strides = array<i32>} : memref<4x14x224xf32, #tpu.memory_space<vmem>>, vector<1x1x16xf32>,
      %get3A_104 = vector.shape_cast %get3A_103 : vector<1x1x16xf32> to vector<16xf32>
      %get3A_105 = arith.constant 2 : i32
      %get3A_106 = arith.index_cast %get3A_105 : i32 to index
      %get3A_107 = arith.index_cast %select_n3A_75 : i32 to index
      %get3A_108 = arith.index_cast %mul3A_93 : i32 to index
      %get3A_109 = tpu.vector_load %arg4[%get3A_106, %get3A_107, %get3A_108] {strides = array<i32>} : memref<4x14x224xf32, #tpu.memory_space<vmem>>, vector<1x1x16xf32>,
      %get3A_110 = vector.shape_cast %get3A_109 : vector<1x1x16xf32> to vector<16xf32>
      %get3A_111 = arith.constant 3 : i32
      %get3A_112 = arith.index_cast %get3A_111 : i32 to index
      %get3A_113 = arith.index_cast %select_n3A_75 : i32 to index
      %get3A_114 = arith.index_cast %mul3A_93 : i32 to index
      %get3A_115 = tpu.vector_load %arg4[%get3A_112, %get3A_113, %get3A_114] {strides = array<i32>} : memref<4x14x224xf32, #tpu.memory_space<vmem>>, vector<1x1x16xf32>,
      %get3A_116 = vector.shape_cast %get3A_115 : vector<1x1x16xf32> to vector<16xf32>
      %gt3A = arith.cmpf ogt, %get3A_104, %get3A_98 : vector<16xf32>
      %select_n3A_117 = arith.select %gt3A, %broadcast_in_dim3A_3, %broadcast_in_dim3A_1 : vector<16xi1>, vector<16xi32>
      %add3A_118 = arith.addi %broadcast_in_dim3A_1, %select_n3A_117 : vector<16xi32>
      %gt3A_119 = arith.cmpf ogt, %get3A_110, %get3A_98 : vector<16xf32>
      %select_n3A_120 = arith.select %gt3A_119, %broadcast_in_dim3A_3, %broadcast_in_dim3A_1 : vector<16xi1>, vector<16xi32>
      %add3A_121 = arith.addi %add3A_118, %select_n3A_120 : vector<16xi32>
      %gt3A_122 = arith.cmpf ogt, %get3A_116, %get3A_98 : vector<16xf32>
      %select_n3A_123 = arith.select %gt3A_122, %broadcast_in_dim3A_3, %broadcast_in_dim3A_1 : vector<16xi1>, vector<16xi32>
      %add3A_124 = arith.addi %add3A_121, %select_n3A_123 : vector<16xi32>
      %mul3A_125 = arith.muli %add3A_124, %broadcast_in_dim3A_5 : vector<16xi32>
      %add3A_126 = arith.addi %broadcast_in_dim3A_1, %mul3A_125 : vector<16xi32>
      %gt3A_127 = arith.cmpf ogt, %get3A_98, %get3A_104 : vector<16xf32>
      %select_n3A_128 = arith.select %gt3A_127, %broadcast_in_dim3A_3, %broadcast_in_dim3A_1 : vector<16xi1>, vector<16xi32>
      %add3A_129 = arith.addi %broadcast_in_dim3A_1, %select_n3A_128 : vector<16xi32>
      %eq3A_130 = arith.cmpf oeq, %get3A_98, %get3A_104 : vector<16xf32>
      %select_n3A_131 = arith.select %eq3A_130, %broadcast_in_dim3A_3, %broadcast_in_dim3A_1 : vector<16xi1>, vector<16xi32>
      %add3A_132 = arith.addi %add3A_129, %select_n3A_131 : vector<16xi32>
      %gt3A_133 = arith.cmpf ogt, %get3A_110, %get3A_104 : vector<16xf32>
      %select_n3A_134 = arith.select %gt3A_133, %broadcast_in_dim3A_3, %broadcast_in_dim3A_1 : vector<16xi1>, vector<16xi32>
      %add3A_135 = arith.addi %add3A_132, %select_n3A_134 : vector<16xi32>
      %gt3A_136 = arith.cmpf ogt, %get3A_116, %get3A_104 : vector<16xf32>
      %select_n3A_137 = arith.select %gt3A_136, %broadcast_in_dim3A_3, %broadcast_in_dim3A_1 : vector<16xi1>, vector<16xi32>
      %add3A_138 = arith.addi %add3A_135, %select_n3A_137 : vector<16xi32>
      %mul3A_139 = arith.muli %add3A_138, %broadcast_in_dim3A_7 : vector<16xi32>
      %add3A_140 = arith.addi %add3A_126, %mul3A_139 : vector<16xi32>
      %gt3A_141 = arith.cmpf ogt, %get3A_98, %get3A_110 : vector<16xf32>
      %select_n3A_142 = arith.select %gt3A_141, %broadcast_in_dim3A_3, %broadcast_in_dim3A_1 : vector<16xi1>, vector<16xi32>
      %add3A_143 = arith.addi %broadcast_in_dim3A_1, %select_n3A_142 : vector<16xi32>
      %eq3A_144 = arith.cmpf oeq, %get3A_98, %get3A_110 : vector<16xf32>
      %select_n3A_145 = arith.select %eq3A_144, %broadcast_in_dim3A_3, %broadcast_in_dim3A_1 : vector<16xi1>, vector<16xi32>
      %add3A_146 = arith.addi %add3A_143, %select_n3A_145 : vector<16xi32>
      %gt3A_147 = arith.cmpf ogt, %get3A_104, %get3A_110 : vector<16xf32>
      %select_n3A_148 = arith.select %gt3A_147, %broadcast_in_dim3A_3, %broadcast_in_dim3A_1 : vector<16xi1>, vector<16xi32>
      %add3A_149 = arith.addi %add3A_146, %select_n3A_148 : vector<16xi32>
      %eq3A_150 = arith.cmpf oeq, %get3A_104, %get3A_110 : vector<16xf32>
      %select_n3A_151 = arith.select %eq3A_150, %broadcast_in_dim3A_3, %broadcast_in_dim3A_1 : vector<16xi1>, vector<16xi32>
      %add3A_152 = arith.addi %add3A_149, %select_n3A_151 : vector<16xi32>
      %gt3A_153 = arith.cmpf ogt, %get3A_116, %get3A_110 : vector<16xf32>
      %select_n3A_154 = arith.select %gt3A_153, %broadcast_in_dim3A_3, %broadcast_in_dim3A_1 : vector<16xi1>, vector<16xi32>
      %add3A_155 = arith.addi %add3A_152, %select_n3A_154 : vector<16xi32>
      %mul3A_156 = arith.muli %add3A_155, %broadcast_in_dim3A_9 : vector<16xi32>
      %add3A_157 = arith.addi %add3A_140, %mul3A_156 : vector<16xi32>
      %gt3A_158 = arith.cmpf ogt, %get3A_98, %get3A_116 : vector<16xf32>
      %select_n3A_159 = arith.select %gt3A_158, %broadcast_in_dim3A_3, %broadcast_in_dim3A_1 : vector<16xi1>, vector<16xi32>
      %add3A_160 = arith.addi %broadcast_in_dim3A_1, %select_n3A_159 : vector<16xi32>
      %eq3A_161 = arith.cmpf oeq, %get3A_98, %get3A_116 : vector<16xf32>
      %select_n3A_162 = arith.select %eq3A_161, %broadcast_in_dim3A_3, %broadcast_in_dim3A_1 : vector<16xi1>, vector<16xi32>
      %add3A_163 = arith.addi %add3A_160, %select_n3A_162 : vector<16xi32>
      %gt3A_164 = arith.cmpf ogt, %get3A_104, %get3A_116 : vector<16xf32>
      %select_n3A_165 = arith.select %gt3A_164, %broadcast_in_dim3A_3, %broadcast_in_dim3A_1 : vector<16xi1>, vector<16xi32>
      %add3A_166 = arith.addi %add3A_163, %select_n3A_165 : vector<16xi32>
      %eq3A_167 = arith.cmpf oeq, %get3A_104, %get3A_116 : vector<16xf32>
      %select_n3A_168 = arith.select %eq3A_167, %broadcast_in_dim3A_3, %broadcast_in_dim3A_1 : vector<16xi1>, vector<16xi32>
      %add3A_169 = arith.addi %add3A_166, %select_n3A_168 : vector<16xi32>
      %gt3A_170 = arith.cmpf ogt, %get3A_110, %get3A_116 : vector<16xf32>
      %select_n3A_171 = arith.select %gt3A_170, %broadcast_in_dim3A_3, %broadcast_in_dim3A_1 : vector<16xi1>, vector<16xi32>
      %add3A_172 = arith.addi %add3A_169, %select_n3A_171 : vector<16xi32>
      %eq3A_173 = arith.cmpf oeq, %get3A_110, %get3A_116 : vector<16xf32>
      %select_n3A_174 = arith.select %eq3A_173, %broadcast_in_dim3A_3, %broadcast_in_dim3A_1 : vector<16xi1>, vector<16xi32>
      %add3A_175 = arith.addi %add3A_172, %select_n3A_174 : vector<16xi32>
      %mul3A_176 = arith.muli %add3A_175, %broadcast_in_dim3A_11 : vector<16xi32>
      %add3A_177 = arith.addi %add3A_157, %mul3A_176 : vector<16xi32>
      %swap3A = arith.index_cast %select_n3A_75 : i32 to index
      %swap3A_178 = arith.index_cast %mul3A_93 : i32 to index
      %swap3A_179 = tpu.vector_load %arg5[%swap3A, %swap3A_178] {strides = array<i32>} : memref<14x224xi32, #tpu.memory_space<vmem>>, vector<1x16xi32>,
      %swap3A_180 = vector.shape_cast %swap3A_179 : vector<1x16xi32> to vector<16xi32>
      %swap3A_181 = vector.shape_cast %add3A_177 : vector<16xi32> to vector<1x16xi32>
      tpu.vector_store %arg5[%swap3A, %swap3A_178], %swap3A_181 {strides = array<i32>} : memref<14x224xi32, #tpu.memory_space<vmem>>, vector<1x16xi32>,
      %scan3A_182 = arith.constant 0 : i32
      scf.yield %scan3A_182 : i32
    }
    %scan3A_49 = arith.constant 196 : i32
    "tpu.region"() ({
      %run_scoped3A = tpu.sem_alloc : memref<!tpu.dma_semaphore, #tpu.memory_space<semaphore_mem>>
      %dma_start3A = arith.constant 0 : i32
      %dma_start3A_50 = tpu.memref_slice %arg3[%select_n3A, %select_n3A_43, %dma_start3A] : memref<2x224x224xi32, #tpu.memory_space<hbm>> -> memref<1x14x224xi32, #tpu.memory_space<hbm>>
      %dma_start3A_51 = tpu.memref_squeeze %dma_start3A_50 : memref<1x14x224xi32, #tpu.memory_space<hbm>> -> memref<14x224xi32, #tpu.memory_space<hbm>>
      %dma_start3A_52 = arith.constant 0 : i32
      %dma_start3A_53 = tpu.memref_slice %arg3[%select_n3A, %select_n3A_43, %dma_start3A_52] : memref<2x224x224xi32, #tpu.memory_space<hbm>> -> memref<1x14x224xi32, #tpu.memory_space<hbm>>
      %dma_start3A_54 = tpu.memref_squeeze %dma_start3A_53 : memref<1x14x224xi32, #tpu.memory_space<hbm>> -> memref<14x224xi32, #tpu.memory_space<hbm>>
      tpu.enqueue_dma source(%arg5 : memref<14x224xi32, #tpu.memory_space<vmem>>) target(%dma_start3A_54 : memref<14x224xi32, #tpu.memory_space<hbm>>) target_semaphore(%run_scoped3A : memref<!tpu.dma_semaphore, #tpu.memory_space<semaphore_mem>>)
      %dma_wait3A = arith.constant 0 : i32
      %dma_wait3A_55 = tpu.memref_slice %arg3[%select_n3A, %select_n3A_43, %dma_wait3A] : memref<2x224x224xi32, #tpu.memory_space<hbm>> -> memref<1x14x224xi32, #tpu.memory_space<hbm>>
      %dma_wait3A_56 = tpu.memref_squeeze %dma_wait3A_55 : memref<1x14x224xi32, #tpu.memory_space<hbm>> -> memref<14x224xi32, #tpu.memory_space<hbm>>
      %dma_wait3A_57 = arith.constant 0 : i32
      %dma_wait3A_58 = tpu.memref_slice %arg3[%select_n3A, %select_n3A_43, %dma_wait3A_57] : memref<2x224x224xi32, #tpu.memory_space<hbm>> -> memref<1x14x224xi32, #tpu.memory_space<hbm>>
      %dma_wait3A_59 = tpu.memref_squeeze %dma_wait3A_58 : memref<1x14x224xi32, #tpu.memory_space<hbm>> -> memref<14x224xi32, #tpu.memory_space<hbm>>
      tpu.wait_dma2 semaphore(%run_scoped3A : memref<!tpu.dma_semaphore, #tpu.memory_space<semaphore_mem>>) src(%arg5 : memref<14x224xi32, #tpu.memory_space<vmem>>) dst(%dma_wait3A_59 : memref<14x224xi32, #tpu.memory_space<hbm>>)
      tpu.yield
    }) : () -> ()
    return
  }
}

module attributes {stable_mosaic.version = 14 : i64} {
  func.func @_tc_body(%arg0: i32, %arg1: i32, %arg2: memref<1x224x224xi32, #tpu.memory_space<vmem>>, %arg3: memref<1x4x8x224x224xf32, #tpu.memory_space<vmem>>, %arg4: memref<1x4x8x224x224xf32, #tpu.memory_space<vmem>>) attributes {dimension_semantics = [#tpu.dimension_semantics<arbitrary>, #tpu.dimension_semantics<arbitrary>], iteration_bounds = array<i64: 2, 12>, scalar_prefetch = 0 : i64, scratch_operands = 0 : i64, tpu.core_type = #tpu.core_type<tc>, window_params = [{transform_indices = @transform_0, window_bounds = array<i64: 1, 224, 224>}, {transform_indices = @transform_1, window_bounds = array<i64: 1, 4, 8, 224, 224>}, {transform_indices = @transform_2, window_bounds = array<i64: 1, 4, 8, 224, 224>}]} {
    %get3A = arith.constant 0 : index
    %get3A_0 = arith.constant 0 : index
    %get3A_1 = arith.constant 0 : index
    %get3A_2 = vector.load %arg2[%get3A, %get3A_0, %get3A_1] : memref<1x224x224xi32, #tpu.memory_space<vmem>>, vector<1x224x224xi32>
    %get3A_3 = vector.shape_cast %get3A_2 : vector<1x224x224xi32> to vector<224x224xi32>
    %shift_right_arithmetic3A = arith.constant 0 : i32
    %shift_right_arithmetic3A_4 = vector.broadcast %shift_right_arithmetic3A : i32 to vector<224x224xi32>
    %shift_right_arithmetic3A_5 = arith.shrsi %get3A_3, %shift_right_arithmetic3A_4 : vector<224x224xi32>
    %and3A = arith.constant 255 : i32
    %and3A_6 = vector.broadcast %and3A : i32 to vector<224x224xi32>
    %and3A_7 = arith.andi %shift_right_arithmetic3A_5, %and3A_6 : vector<224x224xi32>
    %shift_right_arithmetic3A_8 = arith.constant 8 : i32
    %shift_right_arithmetic3A_9 = vector.broadcast %shift_right_arithmetic3A_8 : i32 to vector<224x224xi32>
    %shift_right_arithmetic3A_10 = arith.shrsi %get3A_3, %shift_right_arithmetic3A_9 : vector<224x224xi32>
    %and3A_11 = arith.constant 255 : i32
    %and3A_12 = vector.broadcast %and3A_11 : i32 to vector<224x224xi32>
    %and3A_13 = arith.andi %shift_right_arithmetic3A_10, %and3A_12 : vector<224x224xi32>
    %shift_right_arithmetic3A_14 = arith.constant 16 : i32
    %shift_right_arithmetic3A_15 = vector.broadcast %shift_right_arithmetic3A_14 : i32 to vector<224x224xi32>
    %shift_right_arithmetic3A_16 = arith.shrsi %get3A_3, %shift_right_arithmetic3A_15 : vector<224x224xi32>
    %and3A_17 = arith.constant 255 : i32
    %and3A_18 = vector.broadcast %and3A_17 : i32 to vector<224x224xi32>
    %and3A_19 = arith.andi %shift_right_arithmetic3A_16, %and3A_18 : vector<224x224xi32>
    %eq3A = arith.constant 0 : i32
    %eq3A_20 = vector.broadcast %eq3A : i32 to vector<224x224xi32>
    %eq3A_21 = arith.cmpi eq, %and3A_7, %eq3A_20 : vector<224x224xi32>
    %eq3A_22 = arith.constant 0 : i32
    %eq3A_23 = vector.broadcast %eq3A_22 : i32 to vector<224x224xi32>
    %eq3A_24 = arith.cmpi eq, %and3A_13, %eq3A_23 : vector<224x224xi32>
    %eq3A_25 = arith.constant 0 : i32
    %eq3A_26 = vector.broadcast %eq3A_25 : i32 to vector<224x224xi32>
    %eq3A_27 = arith.cmpi eq, %and3A_19, %eq3A_26 : vector<224x224xi32>
    %eq3A_28 = arith.constant 1 : i32
    %eq3A_29 = vector.broadcast %eq3A_28 : i32 to vector<224x224xi32>
    %eq3A_30 = arith.cmpi eq, %and3A_7, %eq3A_29 : vector<224x224xi32>
    %eq3A_31 = arith.constant 1 : i32
    %eq3A_32 = vector.broadcast %eq3A_31 : i32 to vector<224x224xi32>
    %eq3A_33 = arith.cmpi eq, %and3A_13, %eq3A_32 : vector<224x224xi32>
    %eq3A_34 = arith.constant 1 : i32
    %eq3A_35 = vector.broadcast %eq3A_34 : i32 to vector<224x224xi32>
    %eq3A_36 = arith.cmpi eq, %and3A_19, %eq3A_35 : vector<224x224xi32>
    %eq3A_37 = arith.constant 2 : i32
    %eq3A_38 = vector.broadcast %eq3A_37 : i32 to vector<224x224xi32>
    %eq3A_39 = arith.cmpi eq, %and3A_7, %eq3A_38 : vector<224x224xi32>
    %eq3A_40 = arith.constant 2 : i32
    %eq3A_41 = vector.broadcast %eq3A_40 : i32 to vector<224x224xi32>
    %eq3A_42 = arith.cmpi eq, %and3A_13, %eq3A_41 : vector<224x224xi32>
    %eq3A_43 = arith.constant 2 : i32
    %eq3A_44 = vector.broadcast %eq3A_43 : i32 to vector<224x224xi32>
    %eq3A_45 = arith.cmpi eq, %and3A_19, %eq3A_44 : vector<224x224xi32>
    %eq3A_46 = arith.constant 3 : i32
    %eq3A_47 = vector.broadcast %eq3A_46 : i32 to vector<224x224xi32>
    %eq3A_48 = arith.cmpi eq, %and3A_7, %eq3A_47 : vector<224x224xi32>
    %eq3A_49 = arith.constant 3 : i32
    %eq3A_50 = vector.broadcast %eq3A_49 : i32 to vector<224x224xi32>
    %eq3A_51 = arith.cmpi eq, %and3A_13, %eq3A_50 : vector<224x224xi32>
    %eq3A_52 = arith.constant 3 : i32
    %eq3A_53 = vector.broadcast %eq3A_52 : i32 to vector<224x224xi32>
    %eq3A_54 = arith.cmpi eq, %and3A_19, %eq3A_53 : vector<224x224xi32>
    %get3A_55 = arith.constant 0 : index
    %get3A_56 = arith.constant 0 : index
    %get3A_57 = arith.constant 0 : index
    %get3A_58 = arith.constant 0 : index
    %get3A_59 = arith.constant 0 : index
    %get3A_60 = vector.load %arg3[%get3A_55, %get3A_56, %get3A_57, %get3A_58, %get3A_59] : memref<1x4x8x224x224xf32, #tpu.memory_space<vmem>>, vector<1x1x1x224x224xf32>
    %get3A_61 = vector.shape_cast %get3A_60 : vector<1x1x1x224x224xf32> to vector<224x224xf32>
    %get3A_62 = arith.constant 0 : index
    %get3A_63 = arith.constant 1 : index
    %get3A_64 = arith.constant 0 : index
    %get3A_65 = arith.constant 0 : index
    %get3A_66 = arith.constant 0 : index
    %get3A_67 = vector.load %arg3[%get3A_62, %get3A_63, %get3A_64, %get3A_65, %get3A_66] : memref<1x4x8x224x224xf32, #tpu.memory_space<vmem>>, vector<1x1x1x224x224xf32>
    %get3A_68 = vector.shape_cast %get3A_67 : vector<1x1x1x224x224xf32> to vector<224x224xf32>
    %get3A_69 = arith.constant 0 : index
    %get3A_70 = arith.constant 2 : index
    %get3A_71 = arith.constant 0 : index
    %get3A_72 = arith.constant 0 : index
    %get3A_73 = arith.constant 0 : index
    %get3A_74 = vector.load %arg3[%get3A_69, %get3A_70, %get3A_71, %get3A_72, %get3A_73] : memref<1x4x8x224x224xf32, #tpu.memory_space<vmem>>, vector<1x1x1x224x224xf32>
    %get3A_75 = vector.shape_cast %get3A_74 : vector<1x1x1x224x224xf32> to vector<224x224xf32>
    %get3A_76 = arith.constant 0 : index
    %get3A_77 = arith.constant 3 : index
    %get3A_78 = arith.constant 0 : index
    %get3A_79 = arith.constant 0 : index
    %get3A_80 = arith.constant 0 : index
    %get3A_81 = vector.load %arg3[%get3A_76, %get3A_77, %get3A_78, %get3A_79, %get3A_80] : memref<1x4x8x224x224xf32, #tpu.memory_space<vmem>>, vector<1x1x1x224x224xf32>
    %get3A_82 = vector.shape_cast %get3A_81 : vector<1x1x1x224x224xf32> to vector<224x224xf32>
    %select_n3A = arith.select %eq3A_27, %get3A_75, %get3A_82 : vector<224x224xi1>, vector<224x224xf32>
    %select_n3A_83 = arith.select %eq3A_24, %get3A_68, %select_n3A : vector<224x224xi1>, vector<224x224xf32>
    %select_n3A_84 = arith.select %eq3A_21, %get3A_61, %select_n3A_83 : vector<224x224xi1>, vector<224x224xf32>
    %swap3A = arith.constant 0 : index
    %swap3A_85 = arith.constant 0 : index
    %swap3A_86 = arith.constant 0 : index
    %swap3A_87 = arith.constant 0 : index
    %swap3A_88 = arith.constant 0 : index
    %swap3A_89 = vector.load %arg4[%swap3A, %swap3A_85, %swap3A_86, %swap3A_87, %swap3A_88] : memref<1x4x8x224x224xf32, #tpu.memory_space<vmem>>, vector<1x1x1x224x224xf32>
    %swap3A_90 = vector.shape_cast %swap3A_89 : vector<1x1x1x224x224xf32> to vector<224x224xf32>
    %swap3A_91 = vector.shape_cast %select_n3A_84 : vector<224x224xf32> to vector<1x1x1x224x224xf32>
    tpu.vector_store %arg4[%swap3A, %swap3A_85, %swap3A_86, %swap3A_87, %swap3A_88], %swap3A_91 {strides = array<i32>} : memref<1x4x8x224x224xf32, #tpu.memory_space<vmem>>, vector<1x1x1x224x224xf32>,
    %select_n3A_92 = arith.select %eq3A_36, %get3A_75, %get3A_82 : vector<224x224xi1>, vector<224x224xf32>
    %select_n3A_93 = arith.select %eq3A_33, %get3A_68, %select_n3A_92 : vector<224x224xi1>, vector<224x224xf32>
    %select_n3A_94 = arith.select %eq3A_30, %get3A_61, %select_n3A_93 : vector<224x224xi1>, vector<224x224xf32>
    %swap3A_95 = arith.constant 0 : index
    %swap3A_96 = arith.constant 1 : index
    %swap3A_97 = arith.constant 0 : index
    %swap3A_98 = arith.constant 0 : index
    %swap3A_99 = arith.constant 0 : index
    %swap3A_100 = vector.load %arg4[%swap3A_95, %swap3A_96, %swap3A_97, %swap3A_98, %swap3A_99] : memref<1x4x8x224x224xf32, #tpu.memory_space<vmem>>, vector<1x1x1x224x224xf32>
    %swap3A_101 = vector.shape_cast %swap3A_100 : vector<1x1x1x224x224xf32> to vector<224x224xf32>
    %swap3A_102 = vector.shape_cast %select_n3A_94 : vector<224x224xf32> to vector<1x1x1x224x224xf32>
    tpu.vector_store %arg4[%swap3A_95, %swap3A_96, %swap3A_97, %swap3A_98, %swap3A_99], %swap3A_102 {strides = array<i32>} : memref<1x4x8x224x224xf32, #tpu.memory_space<vmem>>, vector<1x1x1x224x224xf32>,
    %select_n3A_103 = arith.select %eq3A_45, %get3A_75, %get3A_82 : vector<224x224xi1>, vector<224x224xf32>
    %select_n3A_104 = arith.select %eq3A_42, %get3A_68, %select_n3A_103 : vector<224x224xi1>, vector<224x224xf32>
    %select_n3A_105 = arith.select %eq3A_39, %get3A_61, %select_n3A_104 : vector<224x224xi1>, vector<224x224xf32>
    %swap3A_106 = arith.constant 0 : index
    %swap3A_107 = arith.constant 2 : index
    %swap3A_108 = arith.constant 0 : index
    %swap3A_109 = arith.constant 0 : index
    %swap3A_110 = arith.constant 0 : index
    %swap3A_111 = vector.load %arg4[%swap3A_106, %swap3A_107, %swap3A_108, %swap3A_109, %swap3A_110] : memref<1x4x8x224x224xf32, #tpu.memory_space<vmem>>, vector<1x1x1x224x224xf32>
    %swap3A_112 = vector.shape_cast %swap3A_111 : vector<1x1x1x224x224xf32> to vector<224x224xf32>
    %swap3A_113 = vector.shape_cast %select_n3A_105 : vector<224x224xf32> to vector<1x1x1x224x224xf32>
    tpu.vector_store %arg4[%swap3A_106, %swap3A_107, %swap3A_108, %swap3A_109, %swap3A_110], %swap3A_113 {strides = array<i32>} : memref<1x4x8x224x224xf32, #tpu.memory_space<vmem>>, vector<1x1x1x224x224xf32>,
    %select_n3A_114 = arith.select %eq3A_54, %get3A_75, %get3A_82 : vector<224x224xi1>, vector<224x224xf32>
    %select_n3A_115 = arith.select %eq3A_51, %get3A_68, %select_n3A_114 : vector<224x224xi1>, vector<224x224xf32>
    %select_n3A_116 = arith.select %eq3A_48, %get3A_61, %select_n3A_115 : vector<224x224xi1>, vector<224x224xf32>
    %swap3A_117 = arith.constant 0 : index
    %swap3A_118 = arith.constant 3 : index
    %swap3A_119 = arith.constant 0 : index
    %swap3A_120 = arith.constant 0 : index
    %swap3A_121 = arith.constant 0 : index
    %swap3A_122 = vector.load %arg4[%swap3A_117, %swap3A_118, %swap3A_119, %swap3A_120, %swap3A_121] : memref<1x4x8x224x224xf32, #tpu.memory_space<vmem>>, vector<1x1x1x224x224xf32>
    %swap3A_123 = vector.shape_cast %swap3A_122 : vector<1x1x1x224x224xf32> to vector<224x224xf32>
    %swap3A_124 = vector.shape_cast %select_n3A_116 : vector<224x224xf32> to vector<1x1x1x224x224xf32>
    tpu.vector_store %arg4[%swap3A_117, %swap3A_118, %swap3A_119, %swap3A_120, %swap3A_121], %swap3A_124 {strides = array<i32>} : memref<1x4x8x224x224xf32, #tpu.memory_space<vmem>>, vector<1x1x1x224x224xf32>,
    %get3A_125 = arith.constant 0 : index
    %get3A_126 = arith.constant 0 : index
    %get3A_127 = arith.constant 1 : index
    %get3A_128 = arith.constant 0 : index
    %get3A_129 = arith.constant 0 : index
    %get3A_130 = vector.load %arg3[%get3A_125, %get3A_126, %get3A_127, %get3A_128, %get3A_129] : memref<1x4x8x224x224xf32, #tpu.memory_space<vmem>>, vector<1x1x1x224x224xf32>
    %get3A_131 = vector.shape_cast %get3A_130 : vector<1x1x1x224x224xf32> to vector<224x224xf32>
    %get3A_132 = arith.constant 0 : index
    %get3A_133 = arith.constant 1 : index
    %get3A_134 = arith.constant 1 : index
    %get3A_135 = arith.constant 0 : index
    %get3A_136 = arith.constant 0 : index
    %get3A_137 = vector.load %arg3[%get3A_132, %get3A_133, %get3A_134, %get3A_135, %get3A_136] : memref<1x4x8x224x224xf32, #tpu.memory_space<vmem>>, vector<1x1x1x224x224xf32>
    %get3A_138 = vector.shape_cast %get3A_137 : vector<1x1x1x224x224xf32> to vector<224x224xf32>
    %get3A_139 = arith.constant 0 : index
    %get3A_140 = arith.constant 2 : index
    %get3A_141 = arith.constant 1 : index
    %get3A_142 = arith.constant 0 : index
    %get3A_143 = arith.constant 0 : index
    %get3A_144 = vector.load %arg3[%get3A_139, %get3A_140, %get3A_141, %get3A_142, %get3A_143] : memref<1x4x8x224x224xf32, #tpu.memory_space<vmem>>, vector<1x1x1x224x224xf32>
    %get3A_145 = vector.shape_cast %get3A_144 : vector<1x1x1x224x224xf32> to vector<224x224xf32>
    %get3A_146 = arith.constant 0 : index
    %get3A_147 = arith.constant 3 : index
    %get3A_148 = arith.constant 1 : index
    %get3A_149 = arith.constant 0 : index
    %get3A_150 = arith.constant 0 : index
    %get3A_151 = vector.load %arg3[%get3A_146, %get3A_147, %get3A_148, %get3A_149, %get3A_150] : memref<1x4x8x224x224xf32, #tpu.memory_space<vmem>>, vector<1x1x1x224x224xf32>
    %get3A_152 = vector.shape_cast %get3A_151 : vector<1x1x1x224x224xf32> to vector<224x224xf32>
    %select_n3A_153 = arith.select %eq3A_27, %get3A_145, %get3A_152 : vector<224x224xi1>, vector<224x224xf32>
    %select_n3A_154 = arith.select %eq3A_24, %get3A_138, %select_n3A_153 : vector<224x224xi1>, vector<224x224xf32>
    %select_n3A_155 = arith.select %eq3A_21, %get3A_131, %select_n3A_154 : vector<224x224xi1>, vector<224x224xf32>
    %swap3A_156 = arith.constant 0 : index
    %swap3A_157 = arith.constant 0 : index
    %swap3A_158 = arith.constant 1 : index
    %swap3A_159 = arith.constant 0 : index
    %swap3A_160 = arith.constant 0 : index
    %swap3A_161 = vector.load %arg4[%swap3A_156, %swap3A_157, %swap3A_158, %swap3A_159, %swap3A_160] : memref<1x4x8x224x224xf32, #tpu.memory_space<vmem>>, vector<1x1x1x224x224xf32>
    %swap3A_162 = vector.shape_cast %swap3A_161 : vector<1x1x1x224x224xf32> to vector<224x224xf32>
    %swap3A_163 = vector.shape_cast %select_n3A_155 : vector<224x224xf32> to vector<1x1x1x224x224xf32>
    tpu.vector_store %arg4[%swap3A_156, %swap3A_157, %swap3A_158, %swap3A_159, %swap3A_160], %swap3A_163 {strides = array<i32>} : memref<1x4x8x224x224xf32, #tpu.memory_space<vmem>>, vector<1x1x1x224x224xf32>,
    %select_n3A_164 = arith.select %eq3A_36, %get3A_145, %get3A_152 : vector<224x224xi1>, vector<224x224xf32>
    %select_n3A_165 = arith.select %eq3A_33, %get3A_138, %select_n3A_164 : vector<224x224xi1>, vector<224x224xf32>
    %select_n3A_166 = arith.select %eq3A_30, %get3A_131, %select_n3A_165 : vector<224x224xi1>, vector<224x224xf32>
    %swap3A_167 = arith.constant 0 : index
    %swap3A_168 = arith.constant 1 : index
    %swap3A_169 = arith.constant 1 : index
    %swap3A_170 = arith.constant 0 : index
    %swap3A_171 = arith.constant 0 : index
    %swap3A_172 = vector.load %arg4[%swap3A_167, %swap3A_168, %swap3A_169, %swap3A_170, %swap3A_171] : memref<1x4x8x224x224xf32, #tpu.memory_space<vmem>>, vector<1x1x1x224x224xf32>
    %swap3A_173 = vector.shape_cast %swap3A_172 : vector<1x1x1x224x224xf32> to vector<224x224xf32>
    %swap3A_174 = vector.shape_cast %select_n3A_166 : vector<224x224xf32> to vector<1x1x1x224x224xf32>
    tpu.vector_store %arg4[%swap3A_167, %swap3A_168, %swap3A_169, %swap3A_170, %swap3A_171], %swap3A_174 {strides = array<i32>} : memref<1x4x8x224x224xf32, #tpu.memory_space<vmem>>, vector<1x1x1x224x224xf32>,
    %select_n3A_175 = arith.select %eq3A_45, %get3A_145, %get3A_152 : vector<224x224xi1>, vector<224x224xf32>
    %select_n3A_176 = arith.select %eq3A_42, %get3A_138, %select_n3A_175 : vector<224x224xi1>, vector<224x224xf32>
    %select_n3A_177 = arith.select %eq3A_39, %get3A_131, %select_n3A_176 : vector<224x224xi1>, vector<224x224xf32>
    %swap3A_178 = arith.constant 0 : index
    %swap3A_179 = arith.constant 2 : index
    %swap3A_180 = arith.constant 1 : index
    %swap3A_181 = arith.constant 0 : index
    %swap3A_182 = arith.constant 0 : index
    %swap3A_183 = vector.load %arg4[%swap3A_178, %swap3A_179, %swap3A_180, %swap3A_181, %swap3A_182] : memref<1x4x8x224x224xf32, #tpu.memory_space<vmem>>, vector<1x1x1x224x224xf32>
    %swap3A_184 = vector.shape_cast %swap3A_183 : vector<1x1x1x224x224xf32> to vector<224x224xf32>
    %swap3A_185 = vector.shape_cast %select_n3A_177 : vector<224x224xf32> to vector<1x1x1x224x224xf32>
    tpu.vector_store %arg4[%swap3A_178, %swap3A_179, %swap3A_180, %swap3A_181, %swap3A_182], %swap3A_185 {strides = array<i32>} : memref<1x4x8x224x224xf32, #tpu.memory_space<vmem>>, vector<1x1x1x224x224xf32>,
    %select_n3A_186 = arith.select %eq3A_54, %get3A_145, %get3A_152 : vector<224x224xi1>, vector<224x224xf32>
    %select_n3A_187 = arith.select %eq3A_51, %get3A_138, %select_n3A_186 : vector<224x224xi1>, vector<224x224xf32>
    %select_n3A_188 = arith.select %eq3A_48, %get3A_131, %select_n3A_187 : vector<224x224xi1>, vector<224x224xf32>
    %swap3A_189 = arith.constant 0 : index
    %swap3A_190 = arith.constant 3 : index
    %swap3A_191 = arith.constant 1 : index
    %swap3A_192 = arith.constant 0 : index
    %swap3A_193 = arith.constant 0 : index
    %swap3A_194 = vector.load %arg4[%swap3A_189, %swap3A_190, %swap3A_191, %swap3A_192, %swap3A_193] : memref<1x4x8x224x224xf32, #tpu.memory_space<vmem>>, vector<1x1x1x224x224xf32>
    %swap3A_195 = vector.shape_cast %swap3A_194 : vector<1x1x1x224x224xf32> to vector<224x224xf32>
    %swap3A_196 = vector.shape_cast %select_n3A_188 : vector<224x224xf32> to vector<1x1x1x224x224xf32>
    tpu.vector_store %arg4[%swap3A_189, %swap3A_190, %swap3A_191, %swap3A_192, %swap3A_193], %swap3A_196 {strides = array<i32>} : memref<1x4x8x224x224xf32, #tpu.memory_space<vmem>>, vector<1x1x1x224x224xf32>,
    %get3A_197 = arith.constant 0 : index
    %get3A_198 = arith.constant 0 : index
    %get3A_199 = arith.constant 2 : index
    %get3A_200 = arith.constant 0 : index
    %get3A_201 = arith.constant 0 : index
    %get3A_202 = vector.load %arg3[%get3A_197, %get3A_198, %get3A_199, %get3A_200, %get3A_201] : memref<1x4x8x224x224xf32, #tpu.memory_space<vmem>>, vector<1x1x1x224x224xf32>
    %get3A_203 = vector.shape_cast %get3A_202 : vector<1x1x1x224x224xf32> to vector<224x224xf32>
    %get3A_204 = arith.constant 0 : index
    %get3A_205 = arith.constant 1 : index
    %get3A_206 = arith.constant 2 : index
    %get3A_207 = arith.constant 0 : index
    %get3A_208 = arith.constant 0 : index
    %get3A_209 = vector.load %arg3[%get3A_204, %get3A_205, %get3A_206, %get3A_207, %get3A_208] : memref<1x4x8x224x224xf32, #tpu.memory_space<vmem>>, vector<1x1x1x224x224xf32>
    %get3A_210 = vector.shape_cast %get3A_209 : vector<1x1x1x224x224xf32> to vector<224x224xf32>
    %get3A_211 = arith.constant 0 : index
    %get3A_212 = arith.constant 2 : index
    %get3A_213 = arith.constant 2 : index
    %get3A_214 = arith.constant 0 : index
    %get3A_215 = arith.constant 0 : index
    %get3A_216 = vector.load %arg3[%get3A_211, %get3A_212, %get3A_213, %get3A_214, %get3A_215] : memref<1x4x8x224x224xf32, #tpu.memory_space<vmem>>, vector<1x1x1x224x224xf32>
    %get3A_217 = vector.shape_cast %get3A_216 : vector<1x1x1x224x224xf32> to vector<224x224xf32>
    %get3A_218 = arith.constant 0 : index
    %get3A_219 = arith.constant 3 : index
    %get3A_220 = arith.constant 2 : index
    %get3A_221 = arith.constant 0 : index
    %get3A_222 = arith.constant 0 : index
    %get3A_223 = vector.load %arg3[%get3A_218, %get3A_219, %get3A_220, %get3A_221, %get3A_222] : memref<1x4x8x224x224xf32, #tpu.memory_space<vmem>>, vector<1x1x1x224x224xf32>
    %get3A_224 = vector.shape_cast %get3A_223 : vector<1x1x1x224x224xf32> to vector<224x224xf32>
    %select_n3A_225 = arith.select %eq3A_27, %get3A_217, %get3A_224 : vector<224x224xi1>, vector<224x224xf32>
    %select_n3A_226 = arith.select %eq3A_24, %get3A_210, %select_n3A_225 : vector<224x224xi1>, vector<224x224xf32>
    %select_n3A_227 = arith.select %eq3A_21, %get3A_203, %select_n3A_226 : vector<224x224xi1>, vector<224x224xf32>
    %swap3A_228 = arith.constant 0 : index
    %swap3A_229 = arith.constant 0 : index
    %swap3A_230 = arith.constant 2 : index
    %swap3A_231 = arith.constant 0 : index
    %swap3A_232 = arith.constant 0 : index
    %swap3A_233 = vector.load %arg4[%swap3A_228, %swap3A_229, %swap3A_230, %swap3A_231, %swap3A_232] : memref<1x4x8x224x224xf32, #tpu.memory_space<vmem>>, vector<1x1x1x224x224xf32>
    %swap3A_234 = vector.shape_cast %swap3A_233 : vector<1x1x1x224x224xf32> to vector<224x224xf32>
    %swap3A_235 = vector.shape_cast %select_n3A_227 : vector<224x224xf32> to vector<1x1x1x224x224xf32>
    tpu.vector_store %arg4[%swap3A_228, %swap3A_229, %swap3A_230, %swap3A_231, %swap3A_232], %swap3A_235 {strides = array<i32>} : memref<1x4x8x224x224xf32, #tpu.memory_space<vmem>>, vector<1x1x1x224x224xf32>,
    %select_n3A_236 = arith.select %eq3A_36, %get3A_217, %get3A_224 : vector<224x224xi1>, vector<224x224xf32>
    %select_n3A_237 = arith.select %eq3A_33, %get3A_210, %select_n3A_236 : vector<224x224xi1>, vector<224x224xf32>
    %select_n3A_238 = arith.select %eq3A_30, %get3A_203, %select_n3A_237 : vector<224x224xi1>, vector<224x224xf32>
    %swap3A_239 = arith.constant 0 : index
    %swap3A_240 = arith.constant 1 : index
    %swap3A_241 = arith.constant 2 : index
    %swap3A_242 = arith.constant 0 : index
    %swap3A_243 = arith.constant 0 : index
    %swap3A_244 = vector.load %arg4[%swap3A_239, %swap3A_240, %swap3A_241, %swap3A_242, %swap3A_243] : memref<1x4x8x224x224xf32, #tpu.memory_space<vmem>>, vector<1x1x1x224x224xf32>
    %swap3A_245 = vector.shape_cast %swap3A_244 : vector<1x1x1x224x224xf32> to vector<224x224xf32>
    %swap3A_246 = vector.shape_cast %select_n3A_238 : vector<224x224xf32> to vector<1x1x1x224x224xf32>
    tpu.vector_store %arg4[%swap3A_239, %swap3A_240, %swap3A_241, %swap3A_242, %swap3A_243], %swap3A_246 {strides = array<i32>} : memref<1x4x8x224x224xf32, #tpu.memory_space<vmem>>, vector<1x1x1x224x224xf32>,
    %select_n3A_247 = arith.select %eq3A_45, %get3A_217, %get3A_224 : vector<224x224xi1>, vector<224x224xf32>
    %select_n3A_248 = arith.select %eq3A_42, %get3A_210, %select_n3A_247 : vector<224x224xi1>, vector<224x224xf32>
    %select_n3A_249 = arith.select %eq3A_39, %get3A_203, %select_n3A_248 : vector<224x224xi1>, vector<224x224xf32>
    %swap3A_250 = arith.constant 0 : index
    %swap3A_251 = arith.constant 2 : index
    %swap3A_252 = arith.constant 2 : index
    %swap3A_253 = arith.constant 0 : index
    %swap3A_254 = arith.constant 0 : index
    %swap3A_255 = vector.load %arg4[%swap3A_250, %swap3A_251, %swap3A_252, %swap3A_253, %swap3A_254] : memref<1x4x8x224x224xf32, #tpu.memory_space<vmem>>, vector<1x1x1x224x224xf32>
    %swap3A_256 = vector.shape_cast %swap3A_255 : vector<1x1x1x224x224xf32> to vector<224x224xf32>
    %swap3A_257 = vector.shape_cast %select_n3A_249 : vector<224x224xf32> to vector<1x1x1x224x224xf32>
    tpu.vector_store %arg4[%swap3A_250, %swap3A_251, %swap3A_252, %swap3A_253, %swap3A_254], %swap3A_257 {strides = array<i32>} : memref<1x4x8x224x224xf32, #tpu.memory_space<vmem>>, vector<1x1x1x224x224xf32>,
    %select_n3A_258 = arith.select %eq3A_54, %get3A_217, %get3A_224 : vector<224x224xi1>, vector<224x224xf32>
    %select_n3A_259 = arith.select %eq3A_51, %get3A_210, %select_n3A_258 : vector<224x224xi1>, vector<224x224xf32>
    %select_n3A_260 = arith.select %eq3A_48, %get3A_203, %select_n3A_259 : vector<224x224xi1>, vector<224x224xf32>
    %swap3A_261 = arith.constant 0 : index
    %swap3A_262 = arith.constant 3 : index
    %swap3A_263 = arith.constant 2 : index
    %swap3A_264 = arith.constant 0 : index
    %swap3A_265 = arith.constant 0 : index
    %swap3A_266 = vector.load %arg4[%swap3A_261, %swap3A_262, %swap3A_263, %swap3A_264, %swap3A_265] : memref<1x4x8x224x224xf32, #tpu.memory_space<vmem>>, vector<1x1x1x224x224xf32>
    %swap3A_267 = vector.shape_cast %swap3A_266 : vector<1x1x1x224x224xf32> to vector<224x224xf32>
    %swap3A_268 = vector.shape_cast %select_n3A_260 : vector<224x224xf32> to vector<1x1x1x224x224xf32>
    tpu.vector_store %arg4[%swap3A_261, %swap3A_262, %swap3A_263, %swap3A_264, %swap3A_265], %swap3A_268 {strides = array<i32>} : memref<1x4x8x224x224xf32, #tpu.memory_space<vmem>>, vector<1x1x1x224x224xf32>,
    %get3A_269 = arith.constant 0 : index
    %get3A_270 = arith.constant 0 : index
    %get3A_271 = arith.constant 3 : index
    %get3A_272 = arith.constant 0 : index
    %get3A_273 = arith.constant 0 : index
    %get3A_274 = vector.load %arg3[%get3A_269, %get3A_270, %get3A_271, %get3A_272, %get3A_273] : memref<1x4x8x224x224xf32, #tpu.memory_space<vmem>>, vector<1x1x1x224x224xf32>
    %get3A_275 = vector.shape_cast %get3A_274 : vector<1x1x1x224x224xf32> to vector<224x224xf32>
    %get3A_276 = arith.constant 0 : index
    %get3A_277 = arith.constant 1 : index
    %get3A_278 = arith.constant 3 : index
    %get3A_279 = arith.constant 0 : index
    %get3A_280 = arith.constant 0 : index
    %get3A_281 = vector.load %arg3[%get3A_276, %get3A_277, %get3A_278, %get3A_279, %get3A_280] : memref<1x4x8x224x224xf32, #tpu.memory_space<vmem>>, vector<1x1x1x224x224xf32>
    %get3A_282 = vector.shape_cast %get3A_281 : vector<1x1x1x224x224xf32> to vector<224x224xf32>
    %get3A_283 = arith.constant 0 : index
    %get3A_284 = arith.constant 2 : index
    %get3A_285 = arith.constant 3 : index
    %get3A_286 = arith.constant 0 : index
    %get3A_287 = arith.constant 0 : index
    %get3A_288 = vector.load %arg3[%get3A_283, %get3A_284, %get3A_285, %get3A_286, %get3A_287] : memref<1x4x8x224x224xf32, #tpu.memory_space<vmem>>, vector<1x1x1x224x224xf32>
    %get3A_289 = vector.shape_cast %get3A_288 : vector<1x1x1x224x224xf32> to vector<224x224xf32>
    %get3A_290 = arith.constant 0 : index
    %get3A_291 = arith.constant 3 : index
    %get3A_292 = arith.constant 3 : index
    %get3A_293 = arith.constant 0 : index
    %get3A_294 = arith.constant 0 : index
    %get3A_295 = vector.load %arg3[%get3A_290, %get3A_291, %get3A_292, %get3A_293, %get3A_294] : memref<1x4x8x224x224xf32, #tpu.memory_space<vmem>>, vector<1x1x1x224x224xf32>
    %get3A_296 = vector.shape_cast %get3A_295 : vector<1x1x1x224x224xf32> to vector<224x224xf32>
    %select_n3A_297 = arith.select %eq3A_27, %get3A_289, %get3A_296 : vector<224x224xi1>, vector<224x224xf32>
    %select_n3A_298 = arith.select %eq3A_24, %get3A_282, %select_n3A_297 : vector<224x224xi1>, vector<224x224xf32>
    %select_n3A_299 = arith.select %eq3A_21, %get3A_275, %select_n3A_298 : vector<224x224xi1>, vector<224x224xf32>
    %swap3A_300 = arith.constant 0 : index
    %swap3A_301 = arith.constant 0 : index
    %swap3A_302 = arith.constant 3 : index
    %swap3A_303 = arith.constant 0 : index
    %swap3A_304 = arith.constant 0 : index
    %swap3A_305 = vector.load %arg4[%swap3A_300, %swap3A_301, %swap3A_302, %swap3A_303, %swap3A_304] : memref<1x4x8x224x224xf32, #tpu.memory_space<vmem>>, vector<1x1x1x224x224xf32>
    %swap3A_306 = vector.shape_cast %swap3A_305 : vector<1x1x1x224x224xf32> to vector<224x224xf32>
    %swap3A_307 = vector.shape_cast %select_n3A_299 : vector<224x224xf32> to vector<1x1x1x224x224xf32>
    tpu.vector_store %arg4[%swap3A_300, %swap3A_301, %swap3A_302, %swap3A_303, %swap3A_304], %swap3A_307 {strides = array<i32>} : memref<1x4x8x224x224xf32, #tpu.memory_space<vmem>>, vector<1x1x1x224x224xf32>,
    %select_n3A_308 = arith.select %eq3A_36, %get3A_289, %get3A_296 : vector<224x224xi1>, vector<224x224xf32>
    %select_n3A_309 = arith.select %eq3A_33, %get3A_282, %select_n3A_308 : vector<224x224xi1>, vector<224x224xf32>
    %select_n3A_310 = arith.select %eq3A_30, %get3A_275, %select_n3A_309 : vector<224x224xi1>, vector<224x224xf32>
    %swap3A_311 = arith.constant 0 : index
    %swap3A_312 = arith.constant 1 : index
    %swap3A_313 = arith.constant 3 : index
    %swap3A_314 = arith.constant 0 : index
    %swap3A_315 = arith.constant 0 : index
    %swap3A_316 = vector.load %arg4[%swap3A_311, %swap3A_312, %swap3A_313, %swap3A_314, %swap3A_315] : memref<1x4x8x224x224xf32, #tpu.memory_space<vmem>>, vector<1x1x1x224x224xf32>
    %swap3A_317 = vector.shape_cast %swap3A_316 : vector<1x1x1x224x224xf32> to vector<224x224xf32>
    %swap3A_318 = vector.shape_cast %select_n3A_310 : vector<224x224xf32> to vector<1x1x1x224x224xf32>
    tpu.vector_store %arg4[%swap3A_311, %swap3A_312, %swap3A_313, %swap3A_314, %swap3A_315], %swap3A_318 {strides = array<i32>} : memref<1x4x8x224x224xf32, #tpu.memory_space<vmem>>, vector<1x1x1x224x224xf32>,
    %select_n3A_319 = arith.select %eq3A_45, %get3A_289, %get3A_296 : vector<224x224xi1>, vector<224x224xf32>
    %select_n3A_320 = arith.select %eq3A_42, %get3A_282, %select_n3A_319 : vector<224x224xi1>, vector<224x224xf32>
    %select_n3A_321 = arith.select %eq3A_39, %get3A_275, %select_n3A_320 : vector<224x224xi1>, vector<224x224xf32>
    %swap3A_322 = arith.constant 0 : index
    %swap3A_323 = arith.constant 2 : index
    %swap3A_324 = arith.constant 3 : index
    %swap3A_325 = arith.constant 0 : index
    %swap3A_326 = arith.constant 0 : index
    %swap3A_327 = vector.load %arg4[%swap3A_322, %swap3A_323, %swap3A_324, %swap3A_325, %swap3A_326] : memref<1x4x8x224x224xf32, #tpu.memory_space<vmem>>, vector<1x1x1x224x224xf32>
    %swap3A_328 = vector.shape_cast %swap3A_327 : vector<1x1x1x224x224xf32> to vector<224x224xf32>
    %swap3A_329 = vector.shape_cast %select_n3A_321 : vector<224x224xf32> to vector<1x1x1x224x224xf32>
    tpu.vector_store %arg4[%swap3A_322, %swap3A_323, %swap3A_324, %swap3A_325, %swap3A_326], %swap3A_329 {strides = array<i32>} : memref<1x4x8x224x224xf32, #tpu.memory_space<vmem>>, vector<1x1x1x224x224xf32>,
    %select_n3A_330 = arith.select %eq3A_54, %get3A_289, %get3A_296 : vector<224x224xi1>, vector<224x224xf32>
    %select_n3A_331 = arith.select %eq3A_51, %get3A_282, %select_n3A_330 : vector<224x224xi1>, vector<224x224xf32>
    %select_n3A_332 = arith.select %eq3A_48, %get3A_275, %select_n3A_331 : vector<224x224xi1>, vector<224x224xf32>
    %swap3A_333 = arith.constant 0 : index
    %swap3A_334 = arith.constant 3 : index
    %swap3A_335 = arith.constant 3 : index
    %swap3A_336 = arith.constant 0 : index
    %swap3A_337 = arith.constant 0 : index
    %swap3A_338 = vector.load %arg4[%swap3A_333, %swap3A_334, %swap3A_335, %swap3A_336, %swap3A_337] : memref<1x4x8x224x224xf32, #tpu.memory_space<vmem>>, vector<1x1x1x224x224xf32>
    %swap3A_339 = vector.shape_cast %swap3A_338 : vector<1x1x1x224x224xf32> to vector<224x224xf32>
    %swap3A_340 = vector.shape_cast %select_n3A_332 : vector<224x224xf32> to vector<1x1x1x224x224xf32>
    tpu.vector_store %arg4[%swap3A_333, %swap3A_334, %swap3A_335, %swap3A_336, %swap3A_337], %swap3A_340 {strides = array<i32>} : memref<1x4x8x224x224xf32, #tpu.memory_space<vmem>>, vector<1x1x1x224x224xf32>,
    %get3A_341 = arith.constant 0 : index
    %get3A_342 = arith.constant 0 : index
    %get3A_343 = arith.constant 4 : index
    %get3A_344 = arith.constant 0 : index
    %get3A_345 = arith.constant 0 : index
    %get3A_346 = vector.load %arg3[%get3A_341, %get3A_342, %get3A_343, %get3A_344, %get3A_345] : memref<1x4x8x224x224xf32, #tpu.memory_space<vmem>>, vector<1x1x1x224x224xf32>
    %get3A_347 = vector.shape_cast %get3A_346 : vector<1x1x1x224x224xf32> to vector<224x224xf32>
    %get3A_348 = arith.constant 0 : index
    %get3A_349 = arith.constant 1 : index
    %get3A_350 = arith.constant 4 : index
    %get3A_351 = arith.constant 0 : index
    %get3A_352 = arith.constant 0 : index
    %get3A_353 = vector.load %arg3[%get3A_348, %get3A_349, %get3A_350, %get3A_351, %get3A_352] : memref<1x4x8x224x224xf32, #tpu.memory_space<vmem>>, vector<1x1x1x224x224xf32>
    %get3A_354 = vector.shape_cast %get3A_353 : vector<1x1x1x224x224xf32> to vector<224x224xf32>
    %get3A_355 = arith.constant 0 : index
    %get3A_356 = arith.constant 2 : index
    %get3A_357 = arith.constant 4 : index
    %get3A_358 = arith.constant 0 : index
    %get3A_359 = arith.constant 0 : index
    %get3A_360 = vector.load %arg3[%get3A_355, %get3A_356, %get3A_357, %get3A_358, %get3A_359] : memref<1x4x8x224x224xf32, #tpu.memory_space<vmem>>, vector<1x1x1x224x224xf32>
    %get3A_361 = vector.shape_cast %get3A_360 : vector<1x1x1x224x224xf32> to vector<224x224xf32>
    %get3A_362 = arith.constant 0 : index
    %get3A_363 = arith.constant 3 : index
    %get3A_364 = arith.constant 4 : index
    %get3A_365 = arith.constant 0 : index
    %get3A_366 = arith.constant 0 : index
    %get3A_367 = vector.load %arg3[%get3A_362, %get3A_363, %get3A_364, %get3A_365, %get3A_366] : memref<1x4x8x224x224xf32, #tpu.memory_space<vmem>>, vector<1x1x1x224x224xf32>
    %get3A_368 = vector.shape_cast %get3A_367 : vector<1x1x1x224x224xf32> to vector<224x224xf32>
    %select_n3A_369 = arith.select %eq3A_27, %get3A_361, %get3A_368 : vector<224x224xi1>, vector<224x224xf32>
    %select_n3A_370 = arith.select %eq3A_24, %get3A_354, %select_n3A_369 : vector<224x224xi1>, vector<224x224xf32>
    %select_n3A_371 = arith.select %eq3A_21, %get3A_347, %select_n3A_370 : vector<224x224xi1>, vector<224x224xf32>
    %swap3A_372 = arith.constant 0 : index
    %swap3A_373 = arith.constant 0 : index
    %swap3A_374 = arith.constant 4 : index
    %swap3A_375 = arith.constant 0 : index
    %swap3A_376 = arith.constant 0 : index
    %swap3A_377 = vector.load %arg4[%swap3A_372, %swap3A_373, %swap3A_374, %swap3A_375, %swap3A_376] : memref<1x4x8x224x224xf32, #tpu.memory_space<vmem>>, vector<1x1x1x224x224xf32>
    %swap3A_378 = vector.shape_cast %swap3A_377 : vector<1x1x1x224x224xf32> to vector<224x224xf32>
    %swap3A_379 = vector.shape_cast %select_n3A_371 : vector<224x224xf32> to vector<1x1x1x224x224xf32>
    tpu.vector_store %arg4[%swap3A_372, %swap3A_373, %swap3A_374, %swap3A_375, %swap3A_376], %swap3A_379 {strides = array<i32>} : memref<1x4x8x224x224xf32, #tpu.memory_space<vmem>>, vector<1x1x1x224x224xf32>,
    %select_n3A_380 = arith.select %eq3A_36, %get3A_361, %get3A_368 : vector<224x224xi1>, vector<224x224xf32>
    %select_n3A_381 = arith.select %eq3A_33, %get3A_354, %select_n3A_380 : vector<224x224xi1>, vector<224x224xf32>
    %select_n3A_382 = arith.select %eq3A_30, %get3A_347, %select_n3A_381 : vector<224x224xi1>, vector<224x224xf32>
    %swap3A_383 = arith.constant 0 : index
    %swap3A_384 = arith.constant 1 : index
    %swap3A_385 = arith.constant 4 : index
    %swap3A_386 = arith.constant 0 : index
    %swap3A_387 = arith.constant 0 : index
    %swap3A_388 = vector.load %arg4[%swap3A_383, %swap3A_384, %swap3A_385, %swap3A_386, %swap3A_387] : memref<1x4x8x224x224xf32, #tpu.memory_space<vmem>>, vector<1x1x1x224x224xf32>
    %swap3A_389 = vector.shape_cast %swap3A_388 : vector<1x1x1x224x224xf32> to vector<224x224xf32>
    %swap3A_390 = vector.shape_cast %select_n3A_382 : vector<224x224xf32> to vector<1x1x1x224x224xf32>
    tpu.vector_store %arg4[%swap3A_383, %swap3A_384, %swap3A_385, %swap3A_386, %swap3A_387], %swap3A_390 {strides = array<i32>} : memref<1x4x8x224x224xf32, #tpu.memory_space<vmem>>, vector<1x1x1x224x224xf32>,
    %select_n3A_391 = arith.select %eq3A_45, %get3A_361, %get3A_368 : vector<224x224xi1>, vector<224x224xf32>
    %select_n3A_392 = arith.select %eq3A_42, %get3A_354, %select_n3A_391 : vector<224x224xi1>, vector<224x224xf32>
    %select_n3A_393 = arith.select %eq3A_39, %get3A_347, %select_n3A_392 : vector<224x224xi1>, vector<224x224xf32>
    %swap3A_394 = arith.constant 0 : index
    %swap3A_395 = arith.constant 2 : index
    %swap3A_396 = arith.constant 4 : index
    %swap3A_397 = arith.constant 0 : index
    %swap3A_398 = arith.constant 0 : index
    %swap3A_399 = vector.load %arg4[%swap3A_394, %swap3A_395, %swap3A_396, %swap3A_397, %swap3A_398] : memref<1x4x8x224x224xf32, #tpu.memory_space<vmem>>, vector<1x1x1x224x224xf32>
    %swap3A_400 = vector.shape_cast %swap3A_399 : vector<1x1x1x224x224xf32> to vector<224x224xf32>
    %swap3A_401 = vector.shape_cast %select_n3A_393 : vector<224x224xf32> to vector<1x1x1x224x224xf32>
    tpu.vector_store %arg4[%swap3A_394, %swap3A_395, %swap3A_396, %swap3A_397, %swap3A_398], %swap3A_401 {strides = array<i32>} : memref<1x4x8x224x224xf32, #tpu.memory_space<vmem>>, vector<1x1x1x224x224xf32>,
    %select_n3A_402 = arith.select %eq3A_54, %get3A_361, %get3A_368 : vector<224x224xi1>, vector<224x224xf32>
    %select_n3A_403 = arith.select %eq3A_51, %get3A_354, %select_n3A_402 : vector<224x224xi1>, vector<224x224xf32>
    %select_n3A_404 = arith.select %eq3A_48, %get3A_347, %select_n3A_403 : vector<224x224xi1>, vector<224x224xf32>
    %swap3A_405 = arith.constant 0 : index
    %swap3A_406 = arith.constant 3 : index
    %swap3A_407 = arith.constant 4 : index
    %swap3A_408 = arith.constant 0 : index
    %swap3A_409 = arith.constant 0 : index
    %swap3A_410 = vector.load %arg4[%swap3A_405, %swap3A_406, %swap3A_407, %swap3A_408, %swap3A_409] : memref<1x4x8x224x224xf32, #tpu.memory_space<vmem>>, vector<1x1x1x224x224xf32>
    %swap3A_411 = vector.shape_cast %swap3A_410 : vector<1x1x1x224x224xf32> to vector<224x224xf32>
    %swap3A_412 = vector.shape_cast %select_n3A_404 : vector<224x224xf32> to vector<1x1x1x224x224xf32>
    tpu.vector_store %arg4[%swap3A_405, %swap3A_406, %swap3A_407, %swap3A_408, %swap3A_409], %swap3A_412 {strides = array<i32>} : memref<1x4x8x224x224xf32, #tpu.memory_space<vmem>>, vector<1x1x1x224x224xf32>,
    %get3A_413 = arith.constant 0 : index
    %get3A_414 = arith.constant 0 : index
    %get3A_415 = arith.constant 5 : index
    %get3A_416 = arith.constant 0 : index
    %get3A_417 = arith.constant 0 : index
    %get3A_418 = vector.load %arg3[%get3A_413, %get3A_414, %get3A_415, %get3A_416, %get3A_417] : memref<1x4x8x224x224xf32, #tpu.memory_space<vmem>>, vector<1x1x1x224x224xf32>
    %get3A_419 = vector.shape_cast %get3A_418 : vector<1x1x1x224x224xf32> to vector<224x224xf32>
    %get3A_420 = arith.constant 0 : index
    %get3A_421 = arith.constant 1 : index
    %get3A_422 = arith.constant 5 : index
    %get3A_423 = arith.constant 0 : index
    %get3A_424 = arith.constant 0 : index
    %get3A_425 = vector.load %arg3[%get3A_420, %get3A_421, %get3A_422, %get3A_423, %get3A_424] : memref<1x4x8x224x224xf32, #tpu.memory_space<vmem>>, vector<1x1x1x224x224xf32>
    %get3A_426 = vector.shape_cast %get3A_425 : vector<1x1x1x224x224xf32> to vector<224x224xf32>
    %get3A_427 = arith.constant 0 : index
    %get3A_428 = arith.constant 2 : index
    %get3A_429 = arith.constant 5 : index
    %get3A_430 = arith.constant 0 : index
    %get3A_431 = arith.constant 0 : index
    %get3A_432 = vector.load %arg3[%get3A_427, %get3A_428, %get3A_429, %get3A_430, %get3A_431] : memref<1x4x8x224x224xf32, #tpu.memory_space<vmem>>, vector<1x1x1x224x224xf32>
    %get3A_433 = vector.shape_cast %get3A_432 : vector<1x1x1x224x224xf32> to vector<224x224xf32>
    %get3A_434 = arith.constant 0 : index
    %get3A_435 = arith.constant 3 : index
    %get3A_436 = arith.constant 5 : index
    %get3A_437 = arith.constant 0 : index
    %get3A_438 = arith.constant 0 : index
    %get3A_439 = vector.load %arg3[%get3A_434, %get3A_435, %get3A_436, %get3A_437, %get3A_438] : memref<1x4x8x224x224xf32, #tpu.memory_space<vmem>>, vector<1x1x1x224x224xf32>
    %get3A_440 = vector.shape_cast %get3A_439 : vector<1x1x1x224x224xf32> to vector<224x224xf32>
    %select_n3A_441 = arith.select %eq3A_27, %get3A_433, %get3A_440 : vector<224x224xi1>, vector<224x224xf32>
    %select_n3A_442 = arith.select %eq3A_24, %get3A_426, %select_n3A_441 : vector<224x224xi1>, vector<224x224xf32>
    %select_n3A_443 = arith.select %eq3A_21, %get3A_419, %select_n3A_442 : vector<224x224xi1>, vector<224x224xf32>
    %swap3A_444 = arith.constant 0 : index
    %swap3A_445 = arith.constant 0 : index
    %swap3A_446 = arith.constant 5 : index
    %swap3A_447 = arith.constant 0 : index
    %swap3A_448 = arith.constant 0 : index
    %swap3A_449 = vector.load %arg4[%swap3A_444, %swap3A_445, %swap3A_446, %swap3A_447, %swap3A_448] : memref<1x4x8x224x224xf32, #tpu.memory_space<vmem>>, vector<1x1x1x224x224xf32>
    %swap3A_450 = vector.shape_cast %swap3A_449 : vector<1x1x1x224x224xf32> to vector<224x224xf32>
    %swap3A_451 = vector.shape_cast %select_n3A_443 : vector<224x224xf32> to vector<1x1x1x224x224xf32>
    tpu.vector_store %arg4[%swap3A_444, %swap3A_445, %swap3A_446, %swap3A_447, %swap3A_448], %swap3A_451 {strides = array<i32>} : memref<1x4x8x224x224xf32, #tpu.memory_space<vmem>>, vector<1x1x1x224x224xf32>,
    %select_n3A_452 = arith.select %eq3A_36, %get3A_433, %get3A_440 : vector<224x224xi1>, vector<224x224xf32>
    %select_n3A_453 = arith.select %eq3A_33, %get3A_426, %select_n3A_452 : vector<224x224xi1>, vector<224x224xf32>
    %select_n3A_454 = arith.select %eq3A_30, %get3A_419, %select_n3A_453 : vector<224x224xi1>, vector<224x224xf32>
    %swap3A_455 = arith.constant 0 : index
    %swap3A_456 = arith.constant 1 : index
    %swap3A_457 = arith.constant 5 : index
    %swap3A_458 = arith.constant 0 : index
    %swap3A_459 = arith.constant 0 : index
    %swap3A_460 = vector.load %arg4[%swap3A_455, %swap3A_456, %swap3A_457, %swap3A_458, %swap3A_459] : memref<1x4x8x224x224xf32, #tpu.memory_space<vmem>>, vector<1x1x1x224x224xf32>
    %swap3A_461 = vector.shape_cast %swap3A_460 : vector<1x1x1x224x224xf32> to vector<224x224xf32>
    %swap3A_462 = vector.shape_cast %select_n3A_454 : vector<224x224xf32> to vector<1x1x1x224x224xf32>
    tpu.vector_store %arg4[%swap3A_455, %swap3A_456, %swap3A_457, %swap3A_458, %swap3A_459], %swap3A_462 {strides = array<i32>} : memref<1x4x8x224x224xf32, #tpu.memory_space<vmem>>, vector<1x1x1x224x224xf32>,
    %select_n3A_463 = arith.select %eq3A_45, %get3A_433, %get3A_440 : vector<224x224xi1>, vector<224x224xf32>
    %select_n3A_464 = arith.select %eq3A_42, %get3A_426, %select_n3A_463 : vector<224x224xi1>, vector<224x224xf32>
    %select_n3A_465 = arith.select %eq3A_39, %get3A_419, %select_n3A_464 : vector<224x224xi1>, vector<224x224xf32>
    %swap3A_466 = arith.constant 0 : index
    %swap3A_467 = arith.constant 2 : index
    %swap3A_468 = arith.constant 5 : index
    %swap3A_469 = arith.constant 0 : index
    %swap3A_470 = arith.constant 0 : index
    %swap3A_471 = vector.load %arg4[%swap3A_466, %swap3A_467, %swap3A_468, %swap3A_469, %swap3A_470] : memref<1x4x8x224x224xf32, #tpu.memory_space<vmem>>, vector<1x1x1x224x224xf32>
    %swap3A_472 = vector.shape_cast %swap3A_471 : vector<1x1x1x224x224xf32> to vector<224x224xf32>
    %swap3A_473 = vector.shape_cast %select_n3A_465 : vector<224x224xf32> to vector<1x1x1x224x224xf32>
    tpu.vector_store %arg4[%swap3A_466, %swap3A_467, %swap3A_468, %swap3A_469, %swap3A_470], %swap3A_473 {strides = array<i32>} : memref<1x4x8x224x224xf32, #tpu.memory_space<vmem>>, vector<1x1x1x224x224xf32>,
    %select_n3A_474 = arith.select %eq3A_54, %get3A_433, %get3A_440 : vector<224x224xi1>, vector<224x224xf32>
    %select_n3A_475 = arith.select %eq3A_51, %get3A_426, %select_n3A_474 : vector<224x224xi1>, vector<224x224xf32>
    %select_n3A_476 = arith.select %eq3A_48, %get3A_419, %select_n3A_475 : vector<224x224xi1>, vector<224x224xf32>
    %swap3A_477 = arith.constant 0 : index
    %swap3A_478 = arith.constant 3 : index
    %swap3A_479 = arith.constant 5 : index
    %swap3A_480 = arith.constant 0 : index
    %swap3A_481 = arith.constant 0 : index
    %swap3A_482 = vector.load %arg4[%swap3A_477, %swap3A_478, %swap3A_479, %swap3A_480, %swap3A_481] : memref<1x4x8x224x224xf32, #tpu.memory_space<vmem>>, vector<1x1x1x224x224xf32>
    %swap3A_483 = vector.shape_cast %swap3A_482 : vector<1x1x1x224x224xf32> to vector<224x224xf32>
    %swap3A_484 = vector.shape_cast %select_n3A_476 : vector<224x224xf32> to vector<1x1x1x224x224xf32>
    tpu.vector_store %arg4[%swap3A_477, %swap3A_478, %swap3A_479, %swap3A_480, %swap3A_481], %swap3A_484 {strides = array<i32>} : memref<1x4x8x224x224xf32, #tpu.memory_space<vmem>>, vector<1x1x1x224x224xf32>,
    %get3A_485 = arith.constant 0 : index
    %get3A_486 = arith.constant 0 : index
    %get3A_487 = arith.constant 6 : index
    %get3A_488 = arith.constant 0 : index
    %get3A_489 = arith.constant 0 : index
    %get3A_490 = vector.load %arg3[%get3A_485, %get3A_486, %get3A_487, %get3A_488, %get3A_489] : memref<1x4x8x224x224xf32, #tpu.memory_space<vmem>>, vector<1x1x1x224x224xf32>
    %get3A_491 = vector.shape_cast %get3A_490 : vector<1x1x1x224x224xf32> to vector<224x224xf32>
    %get3A_492 = arith.constant 0 : index
    %get3A_493 = arith.constant 1 : index
    %get3A_494 = arith.constant 6 : index
    %get3A_495 = arith.constant 0 : index
    %get3A_496 = arith.constant 0 : index
    %get3A_497 = vector.load %arg3[%get3A_492, %get3A_493, %get3A_494, %get3A_495, %get3A_496] : memref<1x4x8x224x224xf32, #tpu.memory_space<vmem>>, vector<1x1x1x224x224xf32>
    %get3A_498 = vector.shape_cast %get3A_497 : vector<1x1x1x224x224xf32> to vector<224x224xf32>
    %get3A_499 = arith.constant 0 : index
    %get3A_500 = arith.constant 2 : index
    %get3A_501 = arith.constant 6 : index
    %get3A_502 = arith.constant 0 : index
    %get3A_503 = arith.constant 0 : index
    %get3A_504 = vector.load %arg3[%get3A_499, %get3A_500, %get3A_501, %get3A_502, %get3A_503] : memref<1x4x8x224x224xf32, #tpu.memory_space<vmem>>, vector<1x1x1x224x224xf32>
    %get3A_505 = vector.shape_cast %get3A_504 : vector<1x1x1x224x224xf32> to vector<224x224xf32>
    %get3A_506 = arith.constant 0 : index
    %get3A_507 = arith.constant 3 : index
    %get3A_508 = arith.constant 6 : index
    %get3A_509 = arith.constant 0 : index
    %get3A_510 = arith.constant 0 : index
    %get3A_511 = vector.load %arg3[%get3A_506, %get3A_507, %get3A_508, %get3A_509, %get3A_510] : memref<1x4x8x224x224xf32, #tpu.memory_space<vmem>>, vector<1x1x1x224x224xf32>
    %get3A_512 = vector.shape_cast %get3A_511 : vector<1x1x1x224x224xf32> to vector<224x224xf32>
    %select_n3A_513 = arith.select %eq3A_27, %get3A_505, %get3A_512 : vector<224x224xi1>, vector<224x224xf32>
    %select_n3A_514 = arith.select %eq3A_24, %get3A_498, %select_n3A_513 : vector<224x224xi1>, vector<224x224xf32>
    %select_n3A_515 = arith.select %eq3A_21, %get3A_491, %select_n3A_514 : vector<224x224xi1>, vector<224x224xf32>
    %swap3A_516 = arith.constant 0 : index
    %swap3A_517 = arith.constant 0 : index
    %swap3A_518 = arith.constant 6 : index
    %swap3A_519 = arith.constant 0 : index
    %swap3A_520 = arith.constant 0 : index
    %swap3A_521 = vector.load %arg4[%swap3A_516, %swap3A_517, %swap3A_518, %swap3A_519, %swap3A_520] : memref<1x4x8x224x224xf32, #tpu.memory_space<vmem>>, vector<1x1x1x224x224xf32>
    %swap3A_522 = vector.shape_cast %swap3A_521 : vector<1x1x1x224x224xf32> to vector<224x224xf32>
    %swap3A_523 = vector.shape_cast %select_n3A_515 : vector<224x224xf32> to vector<1x1x1x224x224xf32>
    tpu.vector_store %arg4[%swap3A_516, %swap3A_517, %swap3A_518, %swap3A_519, %swap3A_520], %swap3A_523 {strides = array<i32>} : memref<1x4x8x224x224xf32, #tpu.memory_space<vmem>>, vector<1x1x1x224x224xf32>,
    %select_n3A_524 = arith.select %eq3A_36, %get3A_505, %get3A_512 : vector<224x224xi1>, vector<224x224xf32>
    %select_n3A_525 = arith.select %eq3A_33, %get3A_498, %select_n3A_524 : vector<224x224xi1>, vector<224x224xf32>
    %select_n3A_526 = arith.select %eq3A_30, %get3A_491, %select_n3A_525 : vector<224x224xi1>, vector<224x224xf32>
    %swap3A_527 = arith.constant 0 : index
    %swap3A_528 = arith.constant 1 : index
    %swap3A_529 = arith.constant 6 : index
    %swap3A_530 = arith.constant 0 : index
    %swap3A_531 = arith.constant 0 : index
    %swap3A_532 = vector.load %arg4[%swap3A_527, %swap3A_528, %swap3A_529, %swap3A_530, %swap3A_531] : memref<1x4x8x224x224xf32, #tpu.memory_space<vmem>>, vector<1x1x1x224x224xf32>
    %swap3A_533 = vector.shape_cast %swap3A_532 : vector<1x1x1x224x224xf32> to vector<224x224xf32>
    %swap3A_534 = vector.shape_cast %select_n3A_526 : vector<224x224xf32> to vector<1x1x1x224x224xf32>
    tpu.vector_store %arg4[%swap3A_527, %swap3A_528, %swap3A_529, %swap3A_530, %swap3A_531], %swap3A_534 {strides = array<i32>} : memref<1x4x8x224x224xf32, #tpu.memory_space<vmem>>, vector<1x1x1x224x224xf32>,
    %select_n3A_535 = arith.select %eq3A_45, %get3A_505, %get3A_512 : vector<224x224xi1>, vector<224x224xf32>
    %select_n3A_536 = arith.select %eq3A_42, %get3A_498, %select_n3A_535 : vector<224x224xi1>, vector<224x224xf32>
    %select_n3A_537 = arith.select %eq3A_39, %get3A_491, %select_n3A_536 : vector<224x224xi1>, vector<224x224xf32>
    %swap3A_538 = arith.constant 0 : index
    %swap3A_539 = arith.constant 2 : index
    %swap3A_540 = arith.constant 6 : index
    %swap3A_541 = arith.constant 0 : index
    %swap3A_542 = arith.constant 0 : index
    %swap3A_543 = vector.load %arg4[%swap3A_538, %swap3A_539, %swap3A_540, %swap3A_541, %swap3A_542] : memref<1x4x8x224x224xf32, #tpu.memory_space<vmem>>, vector<1x1x1x224x224xf32>
    %swap3A_544 = vector.shape_cast %swap3A_543 : vector<1x1x1x224x224xf32> to vector<224x224xf32>
    %swap3A_545 = vector.shape_cast %select_n3A_537 : vector<224x224xf32> to vector<1x1x1x224x224xf32>
    tpu.vector_store %arg4[%swap3A_538, %swap3A_539, %swap3A_540, %swap3A_541, %swap3A_542], %swap3A_545 {strides = array<i32>} : memref<1x4x8x224x224xf32, #tpu.memory_space<vmem>>, vector<1x1x1x224x224xf32>,
    %select_n3A_546 = arith.select %eq3A_54, %get3A_505, %get3A_512 : vector<224x224xi1>, vector<224x224xf32>
    %select_n3A_547 = arith.select %eq3A_51, %get3A_498, %select_n3A_546 : vector<224x224xi1>, vector<224x224xf32>
    %select_n3A_548 = arith.select %eq3A_48, %get3A_491, %select_n3A_547 : vector<224x224xi1>, vector<224x224xf32>
    %swap3A_549 = arith.constant 0 : index
    %swap3A_550 = arith.constant 3 : index
    %swap3A_551 = arith.constant 6 : index
    %swap3A_552 = arith.constant 0 : index
    %swap3A_553 = arith.constant 0 : index
    %swap3A_554 = vector.load %arg4[%swap3A_549, %swap3A_550, %swap3A_551, %swap3A_552, %swap3A_553] : memref<1x4x8x224x224xf32, #tpu.memory_space<vmem>>, vector<1x1x1x224x224xf32>
    %swap3A_555 = vector.shape_cast %swap3A_554 : vector<1x1x1x224x224xf32> to vector<224x224xf32>
    %swap3A_556 = vector.shape_cast %select_n3A_548 : vector<224x224xf32> to vector<1x1x1x224x224xf32>
    tpu.vector_store %arg4[%swap3A_549, %swap3A_550, %swap3A_551, %swap3A_552, %swap3A_553], %swap3A_556 {strides = array<i32>} : memref<1x4x8x224x224xf32, #tpu.memory_space<vmem>>, vector<1x1x1x224x224xf32>,
    %get3A_557 = arith.constant 0 : index
    %get3A_558 = arith.constant 0 : index
    %get3A_559 = arith.constant 7 : index
    %get3A_560 = arith.constant 0 : index
    %get3A_561 = arith.constant 0 : index
    %get3A_562 = vector.load %arg3[%get3A_557, %get3A_558, %get3A_559, %get3A_560, %get3A_561] : memref<1x4x8x224x224xf32, #tpu.memory_space<vmem>>, vector<1x1x1x224x224xf32>
    %get3A_563 = vector.shape_cast %get3A_562 : vector<1x1x1x224x224xf32> to vector<224x224xf32>
    %get3A_564 = arith.constant 0 : index
    %get3A_565 = arith.constant 1 : index
    %get3A_566 = arith.constant 7 : index
    %get3A_567 = arith.constant 0 : index
    %get3A_568 = arith.constant 0 : index
    %get3A_569 = vector.load %arg3[%get3A_564, %get3A_565, %get3A_566, %get3A_567, %get3A_568] : memref<1x4x8x224x224xf32, #tpu.memory_space<vmem>>, vector<1x1x1x224x224xf32>
    %get3A_570 = vector.shape_cast %get3A_569 : vector<1x1x1x224x224xf32> to vector<224x224xf32>
    %get3A_571 = arith.constant 0 : index
    %get3A_572 = arith.constant 2 : index
    %get3A_573 = arith.constant 7 : index
    %get3A_574 = arith.constant 0 : index
    %get3A_575 = arith.constant 0 : index
    %get3A_576 = vector.load %arg3[%get3A_571, %get3A_572, %get3A_573, %get3A_574, %get3A_575] : memref<1x4x8x224x224xf32, #tpu.memory_space<vmem>>, vector<1x1x1x224x224xf32>
    %get3A_577 = vector.shape_cast %get3A_576 : vector<1x1x1x224x224xf32> to vector<224x224xf32>
    %get3A_578 = arith.constant 0 : index
    %get3A_579 = arith.constant 3 : index
    %get3A_580 = arith.constant 7 : index
    %get3A_581 = arith.constant 0 : index
    %get3A_582 = arith.constant 0 : index
    %get3A_583 = vector.load %arg3[%get3A_578, %get3A_579, %get3A_580, %get3A_581, %get3A_582] : memref<1x4x8x224x224xf32, #tpu.memory_space<vmem>>, vector<1x1x1x224x224xf32>
    %get3A_584 = vector.shape_cast %get3A_583 : vector<1x1x1x224x224xf32> to vector<224x224xf32>
    %select_n3A_585 = arith.select %eq3A_27, %get3A_577, %get3A_584 : vector<224x224xi1>, vector<224x224xf32>
    %select_n3A_586 = arith.select %eq3A_24, %get3A_570, %select_n3A_585 : vector<224x224xi1>, vector<224x224xf32>
    %select_n3A_587 = arith.select %eq3A_21, %get3A_563, %select_n3A_586 : vector<224x224xi1>, vector<224x224xf32>
    %swap3A_588 = arith.constant 0 : index
    %swap3A_589 = arith.constant 0 : index
    %swap3A_590 = arith.constant 7 : index
    %swap3A_591 = arith.constant 0 : index
    %swap3A_592 = arith.constant 0 : index
    %swap3A_593 = vector.load %arg4[%swap3A_588, %swap3A_589, %swap3A_590, %swap3A_591, %swap3A_592] : memref<1x4x8x224x224xf32, #tpu.memory_space<vmem>>, vector<1x1x1x224x224xf32>
    %swap3A_594 = vector.shape_cast %swap3A_593 : vector<1x1x1x224x224xf32> to vector<224x224xf32>
    %swap3A_595 = vector.shape_cast %select_n3A_587 : vector<224x224xf32> to vector<1x1x1x224x224xf32>
    tpu.vector_store %arg4[%swap3A_588, %swap3A_589, %swap3A_590, %swap3A_591, %swap3A_592], %swap3A_595 {strides = array<i32>} : memref<1x4x8x224x224xf32, #tpu.memory_space<vmem>>, vector<1x1x1x224x224xf32>,
    %select_n3A_596 = arith.select %eq3A_36, %get3A_577, %get3A_584 : vector<224x224xi1>, vector<224x224xf32>
    %select_n3A_597 = arith.select %eq3A_33, %get3A_570, %select_n3A_596 : vector<224x224xi1>, vector<224x224xf32>
    %select_n3A_598 = arith.select %eq3A_30, %get3A_563, %select_n3A_597 : vector<224x224xi1>, vector<224x224xf32>
    %swap3A_599 = arith.constant 0 : index
    %swap3A_600 = arith.constant 1 : index
    %swap3A_601 = arith.constant 7 : index
    %swap3A_602 = arith.constant 0 : index
    %swap3A_603 = arith.constant 0 : index
    %swap3A_604 = vector.load %arg4[%swap3A_599, %swap3A_600, %swap3A_601, %swap3A_602, %swap3A_603] : memref<1x4x8x224x224xf32, #tpu.memory_space<vmem>>, vector<1x1x1x224x224xf32>
    %swap3A_605 = vector.shape_cast %swap3A_604 : vector<1x1x1x224x224xf32> to vector<224x224xf32>
    %swap3A_606 = vector.shape_cast %select_n3A_598 : vector<224x224xf32> to vector<1x1x1x224x224xf32>
    tpu.vector_store %arg4[%swap3A_599, %swap3A_600, %swap3A_601, %swap3A_602, %swap3A_603], %swap3A_606 {strides = array<i32>} : memref<1x4x8x224x224xf32, #tpu.memory_space<vmem>>, vector<1x1x1x224x224xf32>,
    %select_n3A_607 = arith.select %eq3A_45, %get3A_577, %get3A_584 : vector<224x224xi1>, vector<224x224xf32>
    %select_n3A_608 = arith.select %eq3A_42, %get3A_570, %select_n3A_607 : vector<224x224xi1>, vector<224x224xf32>
    %select_n3A_609 = arith.select %eq3A_39, %get3A_563, %select_n3A_608 : vector<224x224xi1>, vector<224x224xf32>
    %swap3A_610 = arith.constant 0 : index
    %swap3A_611 = arith.constant 2 : index
    %swap3A_612 = arith.constant 7 : index
    %swap3A_613 = arith.constant 0 : index
    %swap3A_614 = arith.constant 0 : index
    %swap3A_615 = vector.load %arg4[%swap3A_610, %swap3A_611, %swap3A_612, %swap3A_613, %swap3A_614] : memref<1x4x8x224x224xf32, #tpu.memory_space<vmem>>, vector<1x1x1x224x224xf32>
    %swap3A_616 = vector.shape_cast %swap3A_615 : vector<1x1x1x224x224xf32> to vector<224x224xf32>
    %swap3A_617 = vector.shape_cast %select_n3A_609 : vector<224x224xf32> to vector<1x1x1x224x224xf32>
    tpu.vector_store %arg4[%swap3A_610, %swap3A_611, %swap3A_612, %swap3A_613, %swap3A_614], %swap3A_617 {strides = array<i32>} : memref<1x4x8x224x224xf32, #tpu.memory_space<vmem>>, vector<1x1x1x224x224xf32>,
    %select_n3A_618 = arith.select %eq3A_54, %get3A_577, %get3A_584 : vector<224x224xi1>, vector<224x224xf32>
    %select_n3A_619 = arith.select %eq3A_51, %get3A_570, %select_n3A_618 : vector<224x224xi1>, vector<224x224xf32>
    %select_n3A_620 = arith.select %eq3A_48, %get3A_563, %select_n3A_619 : vector<224x224xi1>, vector<224x224xf32>
    %swap3A_621 = arith.constant 0 : index
    %swap3A_622 = arith.constant 3 : index
    %swap3A_623 = arith.constant 7 : index
    %swap3A_624 = arith.constant 0 : index
    %swap3A_625 = arith.constant 0 : index
    %swap3A_626 = vector.load %arg4[%swap3A_621, %swap3A_622, %swap3A_623, %swap3A_624, %swap3A_625] : memref<1x4x8x224x224xf32, #tpu.memory_space<vmem>>, vector<1x1x1x224x224xf32>
    %swap3A_627 = vector.shape_cast %swap3A_626 : vector<1x1x1x224x224xf32> to vector<224x224xf32>
    %swap3A_628 = vector.shape_cast %select_n3A_620 : vector<224x224xf32> to vector<1x1x1x224x224xf32>
    tpu.vector_store %arg4[%swap3A_621, %swap3A_622, %swap3A_623, %swap3A_624, %swap3A_625], %swap3A_628 {strides = array<i32>} : memref<1x4x8x224x224xf32, #tpu.memory_space<vmem>>, vector<1x1x1x224x224xf32>,
    return
  }
  func.func @transform_0(%arg0: i32, %arg1: i32) -> (i32, i32, i32) {
    %c0_i32 = arith.constant 0 : i32
    %c0_i32_0 = arith.constant 0 : i32
    %c0_i32_1 = arith.constant 0 : i32
    return %arg0, %c0_i32, %c0_i32_0 : i32, i32, i32
  }
  func.func @transform_1(%arg0: i32, %arg1: i32) -> (i32, i32, i32, i32, i32) {
    %c0_i32 = arith.constant 0 : i32
    %c0_i32_0 = arith.constant 0 : i32
    %c0_i32_1 = arith.constant 0 : i32
    %c0_i32_2 = arith.constant 0 : i32
    return %arg0, %c0_i32, %arg1, %c0_i32_0, %c0_i32_1 : i32, i32, i32, i32, i32
  }
  func.func @transform_2(%arg0: i32, %arg1: i32) -> (i32, i32, i32, i32, i32) {
    %c0_i32 = arith.constant 0 : i32
    %c0_i32_0 = arith.constant 0 : i32
    %c0_i32_1 = arith.constant 0 : i32
    %c0_i32_2 = arith.constant 0 : i32
    return %arg0, %c0_i32, %arg1, %c0_i32_0, %c0_i32_1 : i32, i32, i32, i32, i32
  }
}

</mosaic_0001>

<sc_bundles>
// kernel: kernel.4.cloned.1.call-start
scs
__scs_entry_jumppad:
0x0: {  	(pc) =	sbr.rel $0x88, $3  }
0x1: {  	(tag) =	ssettag $0x0;
	lr =	simm.s32 $0x1  }
0x2: {  	[smem:$0x3F9F] =	sst lr;
	_ =	strace $0xD0000000  }
0x3: {  	_ = 	snop  }
0x4: {  	_ = 	snop  }
0x5: {  	_ = 	snop  }
0x6: {  	_ = 	snop  }
0x7: {  	_ = 	snop  }
__scs_overlays_trampoline_lowered:
0x8: {  	[smem:$0x3FAE] =	sst s0  }
0x9: {  	[smem:$0x3FAF] =	sst s1  }
0xa: {  	[smem:$0x3FB0] =	sst s2  }
0xb: {  	[smem:$0x3FB1] =	sst s3  }
0xc: {  	[smem:$0x3FB2] =	sst s4  }
0xd: {  	[smem:$0x3FB3] =	sst s5  }
0xe: {  	[smem:$0x3FB4] =	sst s6  }
0xf: {  	[smem:$0x3FB5] =	sst s7  }
0x10: {  	[smem:$0x3FB6] =	sst s8  }
0x11: {  	[smem:$0x3FB7] =	sst s9;
	s0 =	simm.s32 @!p0 $0x0  }
0x12: {  	s1 =	sld [smem:$0x3F9D];
	s0 =	simm.s32 @p0 $0x1  }
0x13: {  	[smem:$0x3FB8] =	sst s0;
	s0 =	simm.s32 @!p1 $0x0  }
0x14: {  	s2 =	sld [smem:$0x3F9C];
	s0 =	simm.s32 @p1 $0x1  }
0x15: {  	[smem:$0x3FB9] =	sst s0;
	s0 =	simm.s32 @!p2 $0x0  }
0x16: {  	s3 =	sld [smem:$0x3FDB];
	s0 =	simm.s32 @p2 $0x1  }
0x17: {  	s4 =	simm.s32 $0x1BF5;
	[smem:$0x3FBB] =	sst s0  }
0x18: {  	s0 =	sld [smem:$0x3F9E];
	_ =	swait.ge [sflag:s4], $0x0  }
0x19: {  	s7 =	sld [smem:$0x3F9F]  }
0x1a: {  	s8 =	sadd.s32 $0xFFFFE003, lr  }
0x1b: {  	s9 =	sadd.s32 $0xFFFFFEF7, lr;
	s5 =	simm.s32 $0xFFFFFFFF;
	p2 =	slt.u32 s8, $0xFFFFF086  }
0x1c: {  	p1 =	slt.u32 s9, $0xF7A;
	s5 =	simm.s32 @!p2 $0x0  }
0x1d: {  	s5 =	simm.s32 @p1 $0x1;
	p0 =	seq.s32 s7, s2  }
0x1e: {  	s7 =	smul.u32 @!p0 $0xF7A, s2;
	p2 =	seq.s32 @!p0 s5, $0x0  }
0x1f: {  	s9 =	smul.u32 $0xF7A, s1;
	s8 =	simm.s32 @!p0 $0x1BF5;
	p2 =	por !p2, p0  }
0x20: {  	[sflag:s8] =	ssyncset.s32 @!p0 $0xFFFFF086;
	s6 =	sadd.s32 @!p0 s3, s7;
	s7 =	simm.s32 @!p0 $0x108  }
0x21: {  	s3 =	sadd.s32 s3, s9;
	s6 =	sadd.s32 @!p0 $0x88, s6;
	s7 =	simm.s32 @p2 $0x1082  }
0x22: {  	[simem:s7], [sflag:s8] =	dma.local @!p0 [hbm:s6], $0xF7A  }
0x23: {  	s9 =	sor.u32 $0xD0000000, s2;
	s6 =	simm.s32 $0x108;
	_ =	swait.ge @!p0 [sflag:s8], $0x0  }
0x24: {  	s3 =	sadd.s32 $0x88, s3;
	s6 =	simm.s32 @!p1 $0x1082;
	[sflag:s4] =	ssyncset.s32 $0xFFFFF086  }
0x25: {  	[simem:s6], [sflag:s4] =	dma.local [hbm:s3], $0xF7A  }
0x26: {  	[smem:$0x3F9F] =	sst s1;
	(tag) =	ssettag s2;
	_ =	strace s9  }
0x27: {  	s1 =	sld [smem:$0x3FAF]  }
0x28: {  	s2 =	sld [smem:$0x3FB0]  }
0x29: {  	s4 =	sld [smem:$0x3FB2]  }
0x2a: {  	p0 =	seq.s32 s5, $0x0;
	s5 =	sld [smem:$0x3FB3]  }
0x2b: {  	s6 =	sld [smem:$0x3FB4]  }
0x2c: {  	s7 =	sld [smem:$0x3FB5]  }
0x2d: {  	s3 =	simm.s32 $0x108;
	s8 =	sld [smem:$0x3FB6]  }
0x2e: {  	s3 =	simm.s32 @!p0 $0x1082;
	s9 =	sld [smem:$0x3FB7]  }
0x2f: {  	lr =	sadd.s32 s0, s3;
	s0 =	sld [smem:$0x3FAE]  }
0x30: {  	s3 =	sld [smem:$0x3FB1]  }
0x31: {  	[smem:$0x3FBA] =	sst s10  }
0x32: {  	s10 =	sld [smem:$0x3FB8];
	_ =	sdelay $0x3  }
0x33: {  	p0 =	seq.s32 s10, $0x1;
	s10 =	sld [smem:$0x3FBA];
	_ =	sdelay $0x3  }
0x34: {  	[smem:$0x3FBA] =	sst s10  }
0x35: {  	s10 =	sld [smem:$0x3FB9];
	_ =	sdelay $0x3  }
0x36: {  	p1 =	seq.s32 s10, $0x1;
	s10 =	sld [smem:$0x3FBA];
	_ =	sdelay $0x3  }
0x37: {  	[smem:$0x3FBA] =	sst s10  }
0x38: {  	s10 =	sld [smem:$0x3FBB]  }
0x39: {  	_ = 	snop;
	(pc) =	sbr.ind lr, $3  }
0x3a: {  	_ = 	snop  }
0x3b: {  	_ = 	snop  }
0x3c: {  	p2 =	seq.s32 s10, $0x1;
	s10 =	sld [smem:$0x3FBA]  }
0x3d: {  	_ =	shalt  }
0x3e: {  	_ =	shalt  }
0x3f: {  	_ =	shalt  }
0x40: {  	_ =	shalt  }
0x41: {  	_ =	shalt  }
0x42: {  	_ =	shalt  }
0x43: {  	_ =	shalt  }
0x44: {  	_ =	shalt  }
0x45: {  	_ =	shalt  }
0x46: {  	_ =	shalt  }
0x47: {  	_ =	shalt  }
0x48: {  	_ =	shalt  }
0x49: {  	_ =	shalt  }
0x4a: {  	_ =	shalt  }
0x4b: {  	_ =	shalt  }
0x4c: {  	_ =	shalt  }
0x4d: {  	_ =	shalt  }
0x4e: {  	_ =	shalt  }
0x4f: {  	_ =	shalt  }
0x50: {  	_ =	shalt  }
0x51: {  	_ =	shalt  }
0x52: {  	_ =	shalt  }
0x53: {  	_ =	shalt  }
0x54: {  	_ =	shalt  }
0x55: {  	_ =	shalt  }
0x56: {  	_ =	shalt  }
0x57: {  	_ =	shalt  }
0x58: {  	_ =	shalt  }
0x59: {  	_ =	shalt  }
0x5a: {  	_ =	shalt  }
0x5b: {  	_ =	shalt  }
0x5c: {  	_ =	shalt  }
0x5d: {  	_ =	shalt  }
0x5e: {  	_ =	shalt  }
0x5f: {  	_ =	shalt  }
0x60: {  	_ =	shalt  }
0x61: {  	_ =	shalt  }
0x62: {  	_ =	shalt  }
0x63: {  	_ =	shalt  }
0x64: {  	_ =	shalt  }
0x65: {  	_ =	shalt  }
0x66: {  	_ =	shalt  }
0x67: {  	_ =	shalt  }
0x68: {  	_ =	shalt  }
0x69: {  	_ =	shalt  }
0x6a: {  	_ =	shalt  }
0x6b: {  	_ =	shalt  }
0x6c: {  	_ =	shalt  }
0x6d: {  	_ =	shalt  }
0x6e: {  	_ =	shalt  }
0x6f: {  	_ =	shalt  }
0x70: {  	_ =	shalt  }
0x71: {  	_ =	shalt  }
0x72: {  	_ =	shalt  }
0x73: {  	_ =	shalt  }
0x74: {  	_ =	shalt  }
0x75: {  	_ =	shalt  }
0x76: {  	_ =	shalt  }
0x77: {  	_ =	shalt  }
0x78: {  	_ =	shalt  }
0x79: {  	_ =	shalt  }
0x7a: {  	_ =	shalt  }
0x7b: {  	_ =	shalt  }
0x7c: {  	_ =	shalt  }
0x7d: {  	_ =	shalt  }
0x7e: {  	_ =	shalt  }
0x7f: {  	_ =	shalt  }
0x80: {  	_ =	shalt  }
0x81: {  	_ =	shalt  }
0x82: {  	_ =	shalt  }
0x83: {  	_ =	shalt  }
0x84: {  	_ =	shalt  }
0x85: {  	_ =	shalt  }
0x86: {  	_ =	shalt  }
0x87: {  	_ =	shalt  }
.Lfunc_end0:
.L_simem_size_0:
called_computation_lowered:
.L_overlay_start_0:
0x88: {  	s2 =	sld [smem:$0x3FD9]  }
0x89: {  	s3 =	sld [smem:$0x3FFE];
	_ =	sdelay $0x1  }
0x8a: {  	s1 =	srdreg.scid  }
0x8b: {  	s0 =	sand.u32 $0x1, s1  }
0x8c: {  	s17 =	sshll.u32 s0, $0xA;
	s2 =	sadd.s32 s3, s2  }
0x8d: {  	s2 =	sadd.s32 s2, s17  }
0x8e: {  	[smem:$0x3FC6] =	sst s2  }
0x8f: {  	_ = 	snop  }
0x90: {  	s2 =	sld [smem:$0x3FD0];
	(tm) =	ssettm $0x1  }
0x91: {  	s18 =	sld [smem:$0x3FFB];
	_ =	sdelay $0x3  }
0x92: {  	_ =	strace s18  }
0x93: {  	s3 =	sld [smem:$0x3FFC];
	_ =	sdelay $0x3  }
0x94: {  	_ =	strace s3  }
0x95: {  	s3 =	sld [smem:$0x3FFD];
	_ =	sdelay $0x3  }
0x96: {  	_ =	strace s3  }
0x97: {  	_ =	strace $0x8FFFFFFF  }
0x98: {  	s19 =	sld [smem:$0x3FDB];
	_ =	sdelay $0x1  }
0x99: {  	s4 =	simm.s32 $_scs_section_size  }
0x9a: {  	s5 =	simm.s32 $_size__tile_overlayer_lowered;
	s6 =	simm.s32 $_tile_overlayer_lowered  }
0x9b: {  	s22 =	simm.s32 $0x1BFF;
	s21 =	sshll.u32 s6, $0x1;
	s3 =	sadd.s32 s4, s19  }
0x9c: {  	s7 =	simm.s32 $0x0;
	s20 =	sshll.u32 s5, $0x1;
	s5 =	sadd.s32 s21, s3  }
0x9d: {  	[timem:s7], [sflag:s22] =	dma.local [hbm:s5], s20  }
0x9e: {  	_ =	swait.ge [sflag:s22], s20  }
0x9f: {  	s4 =	ssub.s32 $0x0, s20;
	[sflag:s22] =	ssyncset.done $0x0  }
0xa0: {  	[sflag:s22] =	ssyncadd.s32 s4;
	_ =	sdelay $0x1  }
0xa1: {  	s23 =	simm.s32 $0x1B8B  }
0xa2: {  	_ =	swait.ge [sflag:s23], $0x1  }
0xa3: {  	[sflag:s23] =	ssyncset.done $0x0  }
0xa4: {  	s25 =	simm.s32 $0x1B8E;
	s24 =	sld [smem:$0x3FFE];
	[sflag:s23] =	ssyncadd.s32 $0xFFFFFFFF  }
0xa5: {  	s26 =	simm.s32 $execute0_lowered;
	[smem:$0x3FD2] =	sst s25  }
0xa6: {  	s5 =	sshll.u32 s26, $0x1;
	_ =	strace $0x80000046;
	[dreg:$0x1] =	wrdreg $0xFFFFFFFF  }
0xa7: {  	s28 =	simm.s32 $_size_execute0_lowered;
	s3 =	sadd.s32 s3, s5;
	[dreg:$0x0] =	wrdreg $0x0  }
0xa8: {  	s5 =	sshll.u32 s28, $0x1;
	[dreg:$0x2] =	wrdreg s3  }
0xa9: {  	[dreg:$0x3] =	wrdreg s5  }
0xaa: {  	[dreg:$0x4] =	wrdreg $0xC0  }
0xab: {  	_ =	task [dreg:s7], $0x5FFFF  }
0xac: {  	[dreg:$0x1] =	wrdreg $0xFFFFFFFF  }
0xad: {  	[dreg:$0x0] =	wrdreg $0x60  }
0xae: {  	[dreg:$0x2] =	wrdreg s2  }
0xaf: {  	[dreg:$0x3] =	wrdreg s24  }
0xb0: {  	[dreg:$0x4] =	wrdreg $0x9  }
0xb1: {  	_ =	task.clear_ibuf [dreg:s7], $0x5FFFF;
	_ =	strace $0x90000046  }
0xb2: {  	s29 =	simm.s32 $0x9;
	_ =	strace $0x80000048  }
0xb3: {  	_ =	swait.ge [sflag:s29], $0x1  }
0xb4: {  	[sflag:s29] =	ssyncadd.s32 $0xFFFFFFFF  }
0xb5: {  	_ =	strace $0x90000048  }
0xb6: {  	_ =	sfence  }
0xb7: {  	s30 =	sld [smem:$0x0];
	_ =	sdelay $0x2  }
0xb8: {  	s31 =	sshll.u32 s1, $0xD;
	s1 =	sshrl.u32 s1, $0x2  }
0xb9: {  	s3 =	sand.u32 $0x4000, s31;
	s1 =	sadd.s32 s1, s30  }
0xba: {  	s0 =	sor.u32 s3, s0;
	s1 =	sshll.u32 s1, $0x11  }
0xbb: {  	s0 =	sor.u32 s1, s0  }
0xbc: {  	s0 =	sadd.s32 $0x8F2B, s0  }
0xbd: {  	[sflag:s0] =	ssyncadd.remote.s32 $0x1  }
0xbe: {  	_ =	sfence.sel $0xFFFF  }
0xbf: {  	[dreg:$0x0] =	wrdreg $0xFFFFFFFF;
	(pc) =	sbr.abs _section_cstart, $3  }
0xc0: {  	[dreg:$0x1] =	wrdreg $0xFFFFFFFF  }
0xc1: {  	_ =	task.clear_ibuf [dreg:s7], $0x2FFFF;
	_ =	strace $0x9FFFFFFF  }
0xc2: {  	(tm) =	ssettm $0x7FFFFFFF  }
0xc3: {  	_ =	shalt  }
tec
execute0_lowered:
.L_overlay_start_1:
0x0: {  	(tag) =	ssettag $0x1  }
0x1: {  	s1 =	srdreg.scid;
	s0 =	stileid.u32  }
0x2: {  	s3 =	sand.u32 $0x1, s1;
	s30 =	sshll.u32 s0, $0x1  }
0x3: {  	s1 =	sor.u32 s3, s30  }
0x4: {  	s1 =	smul.u32 $0xE, s1  }
0x5: {  	s6 =	sshrl.u32 s0, $0x3  }
0x6: {  	s4 =	rddreg [dreg:$0x0];
	s8 =	smul.u32 $0xC400, s6;
	s2 =	sadd.s32 $0xFFFFFF20, s1  }
0x7: {  	s5 =	rddreg [dreg:$0x1];
	s6 =	smul.u32 $0x31000, s6;
	s1 =	smin.u32 s1, s2  }
0x8: {  	s9 =	simm.s32 $0x3100;
	s10 =	simm.s32 $0x0;
	s7 =	smul.u32 $0xE0, s1  }
0x9: {  	s3 =	ssub.s32 $0x2, s3;
	s2 =	simm.s32 $0x0;
	s1 =	rddreg [dreg:$0x2]  }
0xa: {  	s31 =	sshrl.u32 s3, $0x1;
	[smem:$0x7FF] =	sst s2;
	s8 =	sadd.s32 s8, s7  }
0xb: {  	_ =	strace $0x80000047;
	s6 =	sadd.s32 s6, s7;
	s8 =	sshrl.u32 s8, $0x3  }
0xc: {  	s7 =	ssub.s32 s3, s31;
	s6 =	sshrl.u32 s6, $0x3;
	s5 =	sadd.s32 s8, s5  }
0xd: {  	s3 =	sadd.s32 s4, s6;
	s6 =	simm.s32 $0xC40;
	s8 =	simm.s32 $0x1  }
0xe: {  	v0 =	vimm.s32 $0x0;
	s4 =	sadd.s32 $0x400, s5;
	s5 =	smax.u32 s7, $0x1;
	s7 =	simm.s32 $0xC400  }
.LBB2_1:
0xf: {  	s11 =	sand.u32 $0xFE, s2  }
0x10: {  	s11 =	sshrl.u32 s11, $0x1  }
0x11: {  	s11 =	smul.u32 $0x93, s11  }
0x12: {  	[tilespmem:s2], [sflag:$0x1] =	stream.strided.gather [hbm4b:s3+s6], $0x3100, s7, s6, $0x38;
	[tilespmem:$0x3D40] =	vst v63  }
0x13: {  	s11 =	sshrl.u32 s11, $0xA  }
0x14: {  	s12 =	sshll.u32 s11, $0x1  }
0x15: {  	s12 =	sadd.s32 $0x0, s12  }
0x16: {  	_ =	swait.ge [sflag:s8], $0x3100;
	s11 =	smul.u32 $0xE0, s11;
	s12 =	sshll.u32 s12, $0x4  }
0x17: {  	[sflag:s8] =	ssyncset.done $0x0;
	s12 =	sand.u32 $0xF0, s12  }
0x18: {  	[sflag:s8] =	ssyncadd.s32 $0xFFFFCF00;
	s11 =	sadd.s32 s12, s11  }
0x19: {  	v4 =	vld [tilespmem:s11+$0x0]  }
0x1a: {  	v5 =	vld [tilespmem:s11+$0x1880]  }
0x1b: {  	v6 =	vld [tilespmem:s11+$0x24C0]  }
0x1c: {  	v7 =	vld [tilespmem:s11+$0xC40];
	_ =	sdelay $0x3  }
0x1d: {  	vm0 =	vgt.f32 v6, v4;
	vm1 =	veq.f32 v5, v6  }
0x1e: {  	s31 =	simm.s32 $0x1;
	vm12 =	vgt.f32 v7, v4;
	vm13 =	vgt.f32 v6, v5;
	vm14 =	vgt.f32 v5, v6  }
0x1f: {  	s12 =	sand.u32 $0xFE, s31;
	vm15 =	vgt.f32 v5, v4;
	vm4 =	vgt.f32 v6, v7;
	vm5 =	veq.f32 v7, v5  }
0x20: {  	s12 =	sshrl.u32 s12, $0x1;
	vm6 =	vgt.f32 v5, v7;
	vm7 =	vgt.f32 v7, v5;
	vm8 =	veq.f32 v7, v6  }
0x21: {  	s12 =	smul.u32 $0x93, s12;
	vm9 =	vgt.f32 v4, v7;
	vm10 =	veq.f32 v4, v7;
	vm11 =	vgt.f32 v7, v6  }
0x22: {  	v8 =	vsel vm0, $0x1, v0;
	v1 =	vsel vm1, $0x1, v0;
	v9 =	vsel vm12, $0x1, v0  }
0x23: {  	s12 =	sshrl.u32 s12, $0xA;
	v2 =	vsel vm13, $0x1, v0;
	v3 =	vsel vm14, $0x1, v0;
	v10 =	vsel vm15, $0x1, v0  }
0x24: {  	s13 =	sshll.u32 s12, $0x1;
	v11 =	vsel vm4, $0x1, v0;
	v12 =	vsel vm5, $0x1, v0;
	v13 =	vsel vm6, $0x1, v0  }
0x25: {  	s13 =	sadd.s32 $0x1, s13;
	v14 =	vsel vm7, $0x1, v0;
	v15 =	vsel vm8, $0x1, v0;
	v16 =	vsel vm9, $0x1, v0  }
0x26: {  	s12 =	smul.u32 $0xE0, s12;
	v7 =	vsel vm10, $0x1, v0;
	vm12 =	vgt.f32 v4, v5;
	s13 =	sshll.u32 s13, $0x4;
	v17 =	vsel vm11, $0x1, v0  }
0x27: {  	vm13 =	veq.f32 v4, v5;
	vm14 =	vgt.f32 v4, v6;
	vm15 =	veq.f32 v4, v6;
	s13 =	sand.u32 $0xF0, s13  }
0x28: {  	v5 =	vsel vm12, $0x1, v0;
	v18 =	vsel vm13, $0x1, v0;
	v19 =	vsel vm14, $0x1, v0;
	s12 =	sadd.s32 s13, s12  }
0x29: {  	v20 =	vsel vm15, $0x1, v0;
	v9 =	vadd.s32 v9, v10;
	v10 =	vadd.s32 v7, v16;
	v4 =	vld [tilespmem:s12+$0x0]  }
0x2a: {  	v7 =	vadd.s32 v8, v9;
	v8 =	vadd.s32 v18, v5;
	v9 =	vadd.s32 v20, v19;
	v6 =	vld [tilespmem:s12+$0x1880]  }
0x2b: {  	v10 =	vadd.s32 v13, v10;
	v5 =	vld [tilespmem:s12+$0x24C0];
	v62 =	vadd.s32 v14, v8;
	v63 =	vadd.s32 v17, v9  }
0x2c: {  	s13 =	simm.s32 $0x2;
	v8 =	vld [tilespmem:s12+$0xC40];
	v9 =	vadd.s32 v11, v10;
	v10 =	vadd.s32 v12, v62;
	v11 =	vadd.s32 v15, v63  }
.LBB2_2:
0x2d: {  	v9 =	vshll.u32 v9, $0x8;
	v2 =	vadd.s32 v2, v10;
	v3 =	vadd.s32 v3, v11  }
0x2e: {  	v7 =	vor.u32 v9, v7;
	v2 =	vshll.u32 v2, $0x10;
	v1 =	vadd.s32 v1, v3  }
0x2f: {  	v2 =	vor.u32 v2, v7;
	v1 =	vshll.u32 v1, $0x18  }
0x30: {  	v3 =	vimm.s32 $0x0;
	v1 =	vadd.s32 v1, v2;
	vm0 =	vgt.f32 v5, v4  }
0x31: {  	vm1 =	veq.f32 v6, v5;
	vm2 =	vgt.f32 v8, v4;
	vm3 =	vgt.f32 v5, v6  }
0x32: {  	vm4 =	vgt.f32 v6, v5;
	vm5 =	vgt.f32 v6, v4;
	vm6 =	vgt.f32 v5, v8  }
0x33: {  	vm7 =	veq.f32 v8, v6;
	vm8 =	vgt.f32 v6, v8;
	vm9 =	vgt.f32 v8, v6  }
0x34: {  	s31 =	sand.u32 $0xFE, s13;
	vm10 =	veq.f32 v8, v5;
	vm11 =	vgt.f32 v4, v8;
	vm12 =	veq.f32 v4, v8  }
0x35: {  	[tilespmem:s11+$0x3100] =	vst v1;
	s11 =	smov.u32 s12;
	s12 =	sshrl.u32 s31, $0x1;
	v1 =	vimm.s32 $0x0;
	v3 =	vsel vm1, $0xFFFFFFFF, v3;
	vm1 =	vgt.f32 v4, v5  }
0x36: {  	vm13 =	vgt.f32 v8, v5;
	vm14 =	vgt.f32 v4, v6;
	s12 =	smul.u32 $0x93, s12;
	v1 =	vsel vm1, $0xFFFFFFFF, v1  }
0x37: {  	vm15 =	veq.f32 v4, v6;
	v7 =	vsel vm0, $0x1, v0;
	vm0 =	veq.f32 v4, v5;
	[tilespmem:$0x1FFF0] =	vst v1  }
0x38: {  	v5 =	vsel vm2, $0x1, v0;
	v2 =	vsel vm3, $0x1, v0;
	v6 =	vsel vm5, $0x1, v0;
	s12 =	sshrl.u32 s12, $0xA;
	v4 =	vld [tilespmem:$0x1FFF0]  }
0x39: {  	v9 =	vsel vm6, $0x1, v0;
	v10 =	vsel vm7, $0x1, v0;
	v8 =	vsel vm8, $0x1, v0;
	s14 =	sshll.u32 s12, $0x1  }
0x3a: {  	v11 =	vsel vm9, $0x1, v0;
	v12 =	vsel vm10, $0x1, v0;
	v13 =	vsel vm11, $0x1, v0;
	[tilespmem:$0x1FFE0] =	vst v3;
	s14 =	sadd.s32 s14, s13  }
0x3b: {  	v14 =	vsel vm12, $0x1, v0;
	v15 =	vsel vm13, $0x1, v0;
	v16 =	vsel vm14, $0x1, v0;
	v1 =	vld [tilespmem:$0x1FFE0];
	s12 =	smul.u32 $0xE0, s12;
	s14 =	sshll.u32 s14, $0x4  }
0x3c: {  	p0 =	sne.s32 s13, $0xC3;
	v17 =	vsel vm15, $0x1, v0;
	v3 =	vsel vm4, $0x1, v0;
	v5 =	vadd.s32 v5, v6;
	s14 =	sand.u32 $0xF0, s14  }
.Ltmp0:
0x3d: {  	v13 =	vadd.s32 v14, v13;
	v63 =	vsel vm0, $0x1, v0;
	s12 =	sadd.s32 s14, s12;
	vm15 =	vnez.u8 v4;
	(pc) =	sbr.rel @p0 .LBB2_2-.Ltmp0, $4  }
0x3e: {  	v16 =	vadd.s32 v17, v16;
	v7 =	vadd.s32 v7, v5;
	v4 =	vld [tilespmem:s12+$0x0];
	v18 =	vsel vm15, $0x1, v0  }
0x3f: {  	v13 =	vadd.s32 v8, v13;
	v11 =	vadd.s32 v11, v16;
	v6 =	vld [tilespmem:s12+$0x1880];
	v14 =	vadd.s32 v63, v18  }
0x40: {  	v9 =	vadd.s32 v9, v13;
	vm1 =	vnez.u8 v1;
	v5 =	vld [tilespmem:s12+$0x24C0];
	v14 =	vadd.s32 v15, v14  }
0x41: {  	v10 =	vadd.s32 v10, v11;
	s13 =	sadd.s32 $0x1, s13;
	v1 =	vsel vm1, $0x1, v0;
	v8 =	vld [tilespmem:s12+$0xC40];
	v11 =	vadd.s32 v12, v14  }
0x42: {  	v9 =	vshll.u32 v9, $0x8  }
0x43: {  	v2 =	vadd.s32 v2, v10;
	v3 =	vadd.s32 v3, v11;
	v7 =	vor.u32 v9, v7  }
0x44: {  	v1 =	vadd.s32 v1, v3;
	v2 =	vshll.u32 v2, $0x10;
	vm15 =	vgt.f32 v6, v4  }
0x45: {  	v2 =	vor.u32 v2, v7;
	v1 =	vshll.u32 v1, $0x18;
	vm0 =	vgt.f32 v5, v4  }
0x46: {  	vm1 =	veq.f32 v6, v5;
	vm13 =	vgt.f32 v5, v6;
	vm14 =	vgt.f32 v6, v5  }
0x47: {  	v17 =	vsel vm15, $0x1, v0;
	vm15 =	veq.f32 v4, v5;
	v12 =	vsel vm0, $0x1, v0  }
0x48: {  	vm12 =	vgt.f32 v8, v4;
	v13 =	vsel vm1, $0x1, v0;
	v15 =	vsel vm13, $0x1, v0  }
0x49: {  	v16 =	vsel vm14, $0x1, v0;
	vm4 =	vgt.f32 v5, v8;
	vm5 =	veq.f32 v8, v6  }
0x4a: {  	vm6 =	vgt.f32 v6, v8;
	vm7 =	vgt.f32 v8, v6;
	vm8 =	veq.f32 v8, v5  }
0x4b: {  	vm9 =	vgt.f32 v4, v8;
	vm10 =	veq.f32 v4, v8;
	vm11 =	vgt.f32 v8, v5  }
0x4c: {  	vm13 =	veq.f32 v4, v6;
	vm14 =	vgt.f32 v4, v5;
	v5 =	vsel vm15, $0x1, v0  }
0x4d: {  	v14 =	vsel vm12, $0x1, v0;
	v18 =	vsel vm4, $0x1, v0;
	v19 =	vsel vm5, $0x1, v0  }
0x4e: {  	v20 =	vsel vm6, $0x1, v0;
	v21 =	vsel vm7, $0x1, v0;
	v22 =	vsel vm8, $0x1, v0  }
0x4f: {  	v23 =	vsel vm9, $0x1, v0;
	v58 =	vsel vm10, $0x1, v0;
	vm12 =	vgt.f32 v4, v6  }
0x50: {  	v24 =	vsel vm11, $0x1, v0;
	v25 =	vsel vm13, $0x1, v0;
	v60 =	vsel vm14, $0x1, v0  }
0x51: {  	v59 =	vsel vm12, $0x1, v0;
	v3 =	vadd.s32 v14, v17;
	v61 =	vadd.s32 v58, v23  }
0x52: {  	v4 =	vadd.s32 v5, v60;
	v3 =	vadd.s32 v12, v3;
	v6 =	vadd.s32 v25, v59  }
0x53: {  	v62 =	vadd.s32 v20, v61;
	v4 =	vadd.s32 v24, v4;
	v6 =	vadd.s32 v21, v6  }
0x54: {  	v5 =	vadd.s32 v18, v62;
	v4 =	vadd.s32 v22, v4;
	v6 =	vadd.s32 v19, v6  }
0x55: {  	v5 =	vshll.u32 v5, $0x8;
	v4 =	vadd.s32 v16, v4;
	v6 =	vadd.s32 v15, v6  }
0x56: {  	v3 =	vor.u32 v5, v3;
	v4 =	vadd.s32 v13, v4;
	v63 =	vshll.u32 v6, $0x10  }
0x57: {  	s10 =	sadd.s32 $0x1, s10;
	v1 =	vadd.s32 v1, v2;
	v2 =	vor.u32 v63, v3;
	v3 =	vshll.u32 v4, $0x18  }
0x58: {  	p0 =	sne.s32 s10, s5;
	[tilespmem:s11+$0x3100] =	vst v1;
	v1 =	vadd.s32 v3, v2  }
.Ltmp1:
0x59: {  	[tilespmem:s12+$0x3100] =	vst v1;
	(pc) =	sbr.rel @p0 .LBB2_1-.Ltmp1, $4  }
0x5a: {  	[hbm4b:s4+s2] =	stream.linear.scatter [tilespmem:s9], [sflag:$0x1], $0xC40, $0x38;
	[tilespmem:$0x3D40] =	vst v63  }
0x5b: {  	_ =	swait.ge [sflag:s8], $0xC40  }
0x5c: {  	[sflag:s8] =	ssyncset.done $0x0  }
0x5d: {  	[sflag:s8] =	ssyncadd.s32 $0xFFFFF3C0  }
0x5e: {  	_ =	sfence.sel $0x180000  }
0x5f: {  	[bflag:$0x0] =	sbarrier.arrive $0xFFFF  }
0x60: {  	p0 =	sne.s32 s0, $0x0;
	_ =	strace $0x90000047  }
0x61: {  	s0 =	sadd.s32 @!p0 $0x100000, s1;
	[bflag:$0x2] =	sbarrier.arrive $0xFFFF  }
0x62: {  	[sflag:s0] =	ssyncadd.tile.s32 @!p0 $0x1;
	_ =	shalt  }
.Lfunc_end2:
_tile_overlayer_lowered:
.L_overlay_start_2:
0x63: {  	(tag) =	ssettag $0x2  }
0x64: {  	s0 =	rddreg [dreg:$0x0];
	s2 =	stileid.u32  }
0x65: {  	s1 =	rddreg [dreg:$0x1];
	p0 =	sne.s32 s2, $0x0  }
0x66: {  	s3 =	rddreg [dreg:$0x2];
	[bflag:$0x3] =	sbarrier.arrive $0xFFFF;
	s2 =	simm.s32 @!p0 $0x1C01  }
0x67: {  	[timem:s3], [sflag:s2] =	dma.local @!p0 [hbm:s0], s1  }
0x68: {  	s0 =	simm.s32 @!p0 $0x1  }
0x69: {  	_ =	swait.ge @!p0 [sflag:s0], s1  }
0x6a: {  	s1 =	ssub.s32 @!p0 $0x0, s1;
	[sflag:s0] =	ssyncset.done @!p0 $0x0  }
0x6b: {  	[sflag:s0] =	ssyncadd.s32 @!p0 s1  }
0x6c: {  	[bflag:$0x3] =	sbarrier.arrive $0xFFFF  }
0x6d: {  	_ =	shalt  }

</sc_bundles>
